<compile_context>
chip_gen: v7x
topology: tpu7x:2x2x1
jax: 0.10.2.dev20260603
libtpu: 0.0.44.dev20260713+nightly
codegen_flags: <defaults>
</compile_context>

<pallas_src>
import functools

import jax
import jax.numpy as jnp
from jax import lax
from jax.experimental import pallas as pl
from jax.experimental.pallas import tpu as pltpu
from jax.experimental.pallas import tpu_sc as plsc

_N = 10000
_E = 320000
_D = 128

_NC = 2
_NS = 16
_NW = _NC * _NS
_EPT = _E // _NW
_CHUNK = 128
_NCHUNKS = 80
_EPTP = _NCHUNKS * _CHUNK
_NG = _NCHUNKS // 4
_NPAD = 10016
_RPT = 624
_REM = _N - _NS * _RPT
_CNTW = _D


_MESH = plsc.VectorSubcoreMesh(
    core_axis_name="c", subcore_axis_name="s",
    num_cores=_NC, num_subcores=_NS)


def _sc_agg_body(h_hbm, src_flat, edges_hbm, z128_hbm, agg_out,
                 dst_v, sa, sb, rows_a, rows_b, acc_sh,
                 gsem_a, gsem_b, isem):
  cid = lax.axis_index("c")
  sid = lax.axis_index("s")
  wid = sid * _NC + cid

  pltpu.sync_copy(edges_hbm.at[1, wid], dst_v)

  r0 = pl.multiple_of(sid * _RPT, 8)
  pltpu.sync_copy(z128_hbm, acc_sh.at[pl.ds(r0, _RPT)])

  @pl.when(sid == 0)
  def _zero_rem():
    pltpu.sync_copy(z128_hbm.at[pl.ds(0, _REM)],
                    acc_sh.at[pl.ds(_NS * _RPT, _REM)])

  plsc.subcore_barrier()

  def idx(c, buf):
    off = pl.multiple_of(wid * _EPTP + c * _CHUNK, _CHUNK)
    pltpu.async_copy(src_flat.at[pl.ds(off, _CHUNK)], buf, isem).wait()

  def gwait(buf, rows, sem):
    pltpu.make_async_copy(h_hbm.at[buf], rows, sem).wait()

  idx(0, sa)
  pltpu.async_copy(h_hbm.at[sa], rows_a, gsem_a)

  def step(i, carry):
    c0 = i * 2
    idx(c0 + 1, sb)
    pltpu.async_copy(h_hbm.at[sb], rows_b, gsem_b)
    gwait(sa, rows_a, gsem_a)
    pltpu.sync_copy(rows_a, acc_sh.at[dst_v.at[c0]], add=True)
    idx(jnp.minimum(c0 + 2, _NCHUNKS - 1), sa)
    pltpu.async_copy(h_hbm.at[sa], rows_a, gsem_a)
    gwait(sb, rows_b, gsem_b)
    pltpu.sync_copy(rows_b, acc_sh.at[dst_v.at[c0 + 1]], add=True)
    return carry

  lax.fori_loop(0, _NCHUNKS // 2 - 1, step, 0)
  gwait(sa, rows_a, gsem_a)
  pltpu.sync_copy(rows_a, acc_sh.at[dst_v.at[_NCHUNKS - 2]], add=True)
  idx(_NCHUNKS - 1, sb)
  pltpu.async_copy(h_hbm.at[sb], rows_b, gsem_b).wait()
  pltpu.sync_copy(rows_b, acc_sh.at[dst_v.at[_NCHUNKS - 1]], add=True)
  plsc.subcore_barrier()

  rows = pl.ds(r0, _RPT)
  pltpu.sync_copy(acc_sh.at[rows], agg_out.at[cid, rows])

  @pl.when(sid == 0)
  def _copy_rem():
    rem = pl.ds(_NS * _RPT, _REM)
    pltpu.sync_copy(acc_sh.at[rem], agg_out.at[cid, rem])


_sc_agg = pl.kernel(
    _sc_agg_body,
    out_type=jax.ShapeDtypeStruct((_NC, _N, _D), jnp.float32),
    mesh=_MESH,
    scratch_types=[
        pltpu.VMEM((_NCHUNKS, _CHUNK), jnp.int32),
        pltpu.VMEM((_CHUNK,), jnp.int32),
        pltpu.VMEM((_CHUNK,), jnp.int32),
        pltpu.VMEM((_CHUNK, _D), jnp.float32),
        pltpu.VMEM((_CHUNK, _D), jnp.float32),
        pltpu.VMEM_SHARED((_NPAD, _D), jnp.float32),
        pltpu.SemaphoreType.DMA,
        pltpu.SemaphoreType.DMA,
        pltpu.SemaphoreType.DMA,
    ],
    name="sc_sage_agg")


def _sc_counts_body(edges_hbm, z16_hbm, ones_hbm, cnt_out,
                    dst_v, ones_v, cnt_sh, sem):
  cid = lax.axis_index("c")
  sid = lax.axis_index("s")
  wid = sid * _NC + cid

  pltpu.sync_copy(edges_hbm.at[1, wid], dst_v)
  pltpu.sync_copy(ones_hbm, ones_v)

  r0 = pl.multiple_of(sid * _RPT, 8)
  pltpu.sync_copy(z16_hbm, cnt_sh.at[pl.ds(r0, _RPT)])

  @pl.when(sid == 0)
  def _zero_rem():
    pltpu.sync_copy(z16_hbm.at[pl.ds(0, _REM)],
                    cnt_sh.at[pl.ds(_NS * _RPT, _REM)])

  plsc.subcore_barrier()

  def step(c, carry):
    pltpu.async_copy(ones_v, cnt_sh.at[dst_v.at[c]], sem, add=True)
    return carry

  def drain(c, carry):
    pltpu.make_async_copy(ones_v, cnt_sh.at[dst_v.at[0]], sem).wait()
    return carry

  lax.fori_loop(0, _NCHUNKS, step, 0)
  lax.fori_loop(0, _NCHUNKS, drain, 0)
  plsc.subcore_barrier()

  rows = pl.ds(r0, _RPT)
  pltpu.sync_copy(cnt_sh.at[rows], cnt_out.at[cid, rows])

  @pl.when(sid == 0)
  def _copy_rem():
    rem = pl.ds(_NS * _RPT, _REM)
    pltpu.sync_copy(cnt_sh.at[rem], cnt_out.at[cid, rem])


_sc_counts = pl.kernel(
    _sc_counts_body,
    out_type=jax.ShapeDtypeStruct((_NC, _N, _CNTW), jnp.float32),
    mesh=_MESH,
    scratch_types=[
        pltpu.VMEM((_NCHUNKS, _CHUNK), jnp.int32),
        pltpu.VMEM((_CHUNK, _CNTW), jnp.float32),
        pltpu.VMEM_SHARED((_NPAD, _CNTW), jnp.float32),
        pltpu.SemaphoreType.DMA,
    ],
    name="sc_sage_counts")


_BN = 1000
_GRID = _N // _BN


def _dotT(x, w):
  return lax.dot_general(x, w, (((1,), (1,)), ((), ())),
                         preferred_element_type=jnp.float32)


def _tc_pre_body(x_ref, wl_ref, wr_ref, b_ref, h_ref, r_ref):
  x = x_ref[...]
  h_ref[...] = _dotT(x, wl_ref[...])
  r_ref[...] = _dotT(x, wr_ref[...]) + b_ref[...]


_tc_pre = pl.pallas_call(
    _tc_pre_body,
    grid=(_GRID,),
    in_specs=[
        pl.BlockSpec((_BN, _D), lambda i: (i, 0)),
        pl.BlockSpec((_D, _D), lambda i: (0, 0)),
        pl.BlockSpec((_D, _D), lambda i: (0, 0)),
        pl.BlockSpec((1, _D), lambda i: (0, 0)),
    ],
    out_specs=[pl.BlockSpec((_BN, _D), lambda i: (i, 0))] * 2,
    out_shape=[jax.ShapeDtypeStruct((_N, _D), jnp.float32)] * 2,
)


def _tc_mid_body(agg_ref, cnt_ref, r1_ref, wl_ref, wr_ref, b_ref,
                 h_ref, r_ref):
  agg = agg_ref[0] + agg_ref[1]
  cnt = cnt_ref[0, :, 0:1] + cnt_ref[1, :, 0:1]
  x1 = jnp.maximum(agg / jnp.maximum(cnt, 1.0) + r1_ref[...], 0.0)
  h_ref[...] = _dotT(x1, wl_ref[...])
  r_ref[...] = _dotT(x1, wr_ref[...]) + b_ref[...]


_tc_mid = pl.pallas_call(
    _tc_mid_body,
    grid=(_GRID,),
    in_specs=[
        pl.BlockSpec((_NC, _BN, _D), lambda i: (0, i, 0)),
        pl.BlockSpec((_NC, _BN, _CNTW), lambda i: (0, i, 0)),
        pl.BlockSpec((_BN, _D), lambda i: (i, 0)),
        pl.BlockSpec((_D, _D), lambda i: (0, 0)),
        pl.BlockSpec((_D, _D), lambda i: (0, 0)),
        pl.BlockSpec((1, _D), lambda i: (0, 0)),
    ],
    out_specs=[pl.BlockSpec((_BN, _D), lambda i: (i, 0))] * 2,
    out_shape=[jax.ShapeDtypeStruct((_N, _D), jnp.float32)] * 2,
)


def _tc_post_body(agg_ref, cnt_ref, r2_ref, out_ref):
  agg = agg_ref[0] + agg_ref[1]
  cnt = cnt_ref[0, :, 0:1] + cnt_ref[1, :, 0:1]
  out_ref[...] = agg / jnp.maximum(cnt, 1.0) + r2_ref[...]


_tc_post = pl.pallas_call(
    _tc_post_body,
    grid=(_GRID,),
    in_specs=[
        pl.BlockSpec((_NC, _BN, _D), lambda i: (0, i, 0)),
        pl.BlockSpec((_NC, _BN, _CNTW), lambda i: (0, i, 0)),
        pl.BlockSpec((_BN, _D), lambda i: (i, 0)),
    ],
    out_specs=pl.BlockSpec((_BN, _D), lambda i: (i, 0)),
    out_shape=jax.ShapeDtypeStruct((_N, _D), jnp.float32),
)


@jax.jit
def kernel(node_features, edge_indices, W_l1, b_l1, W_r1, W_l2, b_l2, W_r2):
  x = node_features
  e3 = edge_indices.reshape(2, _NW, _EPT)
  npad_e = _EPTP - _EPT
  pad_src = (jnp.arange(npad_e, dtype=jnp.int32)[None, :] * 37
             + jnp.arange(_NW, dtype=jnp.int32)[:, None] * 311) % _N
  src_p = jnp.concatenate([e3[0], pad_src], axis=1)
  trash = _N + (jnp.arange(_NW, dtype=jnp.int32) // _NC)[:, None]
  dst_p = jnp.concatenate(
      [e3[1], jnp.broadcast_to(trash, (_NW, _EPTP - _EPT))], axis=1)
  edges = jnp.stack([src_p, dst_p]).reshape(2, _NW, _NCHUNKS, _CHUNK)
  src_flat = src_p.reshape(_NW * _EPTP)
  z128 = jnp.zeros((_RPT, _D), jnp.float32)
  ones = jnp.ones((_CHUNK, _CNTW), jnp.float32)
  cnt = _sc_counts(edges, z128, ones)
  h1, r1 = _tc_pre(x, W_l1, W_r1, b_l1.reshape(1, _D))
  agg1 = _sc_agg(h1, src_flat, edges, z128)
  h2, r2 = _tc_mid(agg1, cnt, r1, W_l2, W_r2, b_l2.reshape(1, _D))
  agg2 = _sc_agg(h2, src_flat, edges, z128)
  return _tc_post(agg2, cnt, r2)

# --- scband reference (transcript-rebuilt; emitter-appended) ---
"""Pipeline reference for scband-graph-sagemodel-v1-66176856097277 (READ-ONLY COPY).

The authoritative reference and input builder live on the scoring server;
editing this copy changes nothing except your own understanding.
"""

import jax, jax.numpy as jnp
import numpy as np

N = 10000
E = 320000
D_IN = 128
D_HID = 128
D_OUT = 128


def setup_inputs(seed: int = 0) -> dict:
    key = jax.random.key(seed)
    ks = jax.random.split(key, 8)
    x = jax.random.normal(ks[0], (N, D_IN), dtype=jnp.float32)
    edge_index = jax.random.randint(ks[1], (2, E), 0, N, dtype=jnp.int32)
    s1 = 1.0 / np.sqrt(D_IN)
    s2 = 1.0 / np.sqrt(D_HID)
    W_l1 = jax.random.uniform(ks[2], (D_HID, D_IN), jnp.float32, -s1, s1)
    b_l1 = jnp.zeros((D_HID,), jnp.float32)
    W_r1 = jax.random.uniform(ks[3], (D_HID, D_IN), jnp.float32, -s1, s1)
    W_l2 = jax.random.uniform(ks[4], (D_OUT, D_HID), jnp.float32, -s2, s2)
    b_l2 = jnp.zeros((D_OUT,), jnp.float32)
    W_r2 = jax.random.uniform(ks[5], (D_OUT, D_HID), jnp.float32, -s2, s2)
    return {
        "node_features": x,
        "edge_indices": edge_index,
        "W_l1": W_l1, "b_l1": b_l1, "W_r1": W_r1,
        "W_l2": W_l2, "b_l2": b_l2, "W_r2": W_r2,
    }


def _sage_conv(x, edge_index, W_l, b_l, W_r):
    # PyG-style SAGEConv with mean aggregation:
    #   out = lin_l(mean_{j in N(i)} x_j) + lin_r(x_i)
    src = edge_index[0]
    dst = edge_index[1]
    msgs = jnp.take(x, src, axis=0)                              # gather  [E, d]
    summed = jax.ops.segment_sum(msgs, dst, num_segments=N)      # scatter-add [N, d]
    counts = jax.ops.segment_sum(jnp.ones((msgs.shape[0], 1), jnp.float32), dst, num_segments=N)
    agg = summed / jnp.maximum(counts, 1.0)                      # mean aggregation
    return agg @ W_l.T + b_l + x @ W_r.T


def reference(node_features, edge_indices, W_l1, b_l1, W_r1, W_l2, b_l2, W_r2):
    x = node_features
    # layer 1
    x = _sage_conv(x, edge_indices, W_l1, b_l1, W_r1)
    x = jax.nn.relu(x)
    # dropout is identity in eval mode
    # layer 2 (final; no relu/dropout)
    x = _sage_conv(x, edge_indices, W_l2, b_l2, W_r2)
    return x

if __name__ == "__main__":
    import jax
    _d = setup_inputs()
    print(jax.jit(kernel)(*tuple(_d.values())))

</pallas_src>

<mosaic_0001>
#map = affine_map<(d0, d1) -> (0, 0)>
#map1 = affine_map<(d0, d1) -> (0)>
#map2 = affine_map<(d0, d1) -> (0, 0, 0, 0)>
#map3 = affine_map<(d0, d1) -> (0, 0, 0)>
module attributes {stable_mosaic.version = 14 : i64} {
  func.func @sc_sage_agg(%arg0: i32, %arg1: i32, %arg2: memref<10000x128xf32, #tpu.memory_space<hbm>>, %arg3: memref<327680xi32, #tpu.memory_space<hbm>>, %arg4: memref<2x32x80x128xi32, #tpu.memory_space<hbm>>, %arg5: memref<624x128xf32, #tpu.memory_space<hbm>>, %arg6: memref<2x10000x128xf32, #tpu.memory_space<hbm>>, %arg7: memref<80x128xi32, #tpu.memory_space<vmem>>, %arg8: memref<128xi32, #tpu.memory_space<vmem>>, %arg9: memref<128xi32, #tpu.memory_space<vmem>>, %arg10: memref<128x128xf32, #tpu.memory_space<vmem>>, %arg11: memref<128x128xf32, #tpu.memory_space<vmem>>, %arg12: memref<10016x128xf32, #tpu.memory_space<vmem_shared>>, %arg13: memref<!tpu.dma_semaphore, #tpu.memory_space<semaphore_mem>>, %arg14: memref<!tpu.dma_semaphore, #tpu.memory_space<semaphore_mem>>, %arg15: memref<!tpu.dma_semaphore, #tpu.memory_space<semaphore_mem>>) attributes {dimension_semantics = [#tpu.dimension_semantics<core_parallel>, #tpu.dimension_semantics<subcore_parallel>], iteration_bounds = array<i64: 2, 16>, scalar_prefetch = 0 : i64, scratch_operands = 9 : i64, tpu.core_type = #tpu.core_type<sc_vector_subcore>, window_params = [{transform_indices = #map}, {transform_indices = #map1}, {transform_indices = #map2}, {transform_indices = #map}, {transform_indices = #map3}]} {
    %mul3A = arith.constant 2 : i32
    %mul3A_0 = arith.muli %arg1, %mul3A : i32
    %add3A = arith.addi %mul3A_0, %arg0 : i32
    %run_scoped3A = arith.constant 1 : i32
    "tpu.region"() ({
      %run_scoped3A_46 = tpu.sem_alloc : memref<!tpu.dma_semaphore, #tpu.memory_space<semaphore_mem>>
      %dma_start3A_47 = arith.constant 0 : i32
      %dma_start3A_48 = arith.constant 0 : i32
      %dma_start3A_49 = tpu.memref_slice %arg4[%run_scoped3A, %add3A, %dma_start3A_47, %dma_start3A_48] : memref<2x32x80x128xi32, #tpu.memory_space<hbm>> -> memref<1x1x80x128xi32, #tpu.memory_space<hbm>>
      %dma_start3A_50 = tpu.memref_squeeze %dma_start3A_49 : memref<1x1x80x128xi32, #tpu.memory_space<hbm>> -> memref<80x128xi32, #tpu.memory_space<hbm>>
      %dma_start3A_51 = arith.constant 0 : i32
      %dma_start3A_52 = arith.constant 0 : i32
      %dma_start3A_53 = tpu.memref_slice %arg4[%run_scoped3A, %add3A, %dma_start3A_51, %dma_start3A_52] : memref<2x32x80x128xi32, #tpu.memory_space<hbm>> -> memref<1x1x80x128xi32, #tpu.memory_space<hbm>>
      %dma_start3A_54 = tpu.memref_squeeze %dma_start3A_53 : memref<1x1x80x128xi32, #tpu.memory_space<hbm>> -> memref<80x128xi32, #tpu.memory_space<hbm>>
      tpu.enqueue_dma source(%dma_start3A_54 : memref<80x128xi32, #tpu.memory_space<hbm>>) target(%arg7 : memref<80x128xi32, #tpu.memory_space<vmem>>) target_semaphore(%run_scoped3A_46 : memref<!tpu.dma_semaphore, #tpu.memory_space<semaphore_mem>>)
      %dma_wait3A_55 = arith.constant 0 : i32
      %dma_wait3A_56 = arith.constant 0 : i32
      %dma_wait3A_57 = tpu.memref_slice %arg4[%run_scoped3A, %add3A, %dma_wait3A_55, %dma_wait3A_56] : memref<2x32x80x128xi32, #tpu.memory_space<hbm>> -> memref<1x1x80x128xi32, #tpu.memory_space<hbm>>
      %dma_wait3A_58 = tpu.memref_squeeze %dma_wait3A_57 : memref<1x1x80x128xi32, #tpu.memory_space<hbm>> -> memref<80x128xi32, #tpu.memory_space<hbm>>
      %dma_wait3A_59 = arith.constant 0 : i32
      %dma_wait3A_60 = arith.constant 0 : i32
      %dma_wait3A_61 = tpu.memref_slice %arg4[%run_scoped3A, %add3A, %dma_wait3A_59, %dma_wait3A_60] : memref<2x32x80x128xi32, #tpu.memory_space<hbm>> -> memref<1x1x80x128xi32, #tpu.memory_space<hbm>>
      %dma_wait3A_62 = tpu.memref_squeeze %dma_wait3A_61 : memref<1x1x80x128xi32, #tpu.memory_space<hbm>> -> memref<80x128xi32, #tpu.memory_space<hbm>>
      tpu.wait_dma2 semaphore(%run_scoped3A_46 : memref<!tpu.dma_semaphore, #tpu.memory_space<semaphore_mem>>) src(%dma_wait3A_62 : memref<80x128xi32, #tpu.memory_space<hbm>>) dst(%arg7 : memref<80x128xi32, #tpu.memory_space<vmem>>)
      tpu.yield
    }) : () -> ()
    %mul3A_1 = arith.constant 624 : i32
    %mul3A_2 = arith.muli %arg1, %mul3A_1 : i32
    %multiple_of3A = tpu.assume_multiple %mul3A_2, 8 : i32
    "tpu.region"() ({
      %run_scoped3A_46 = tpu.sem_alloc : memref<!tpu.dma_semaphore, #tpu.memory_space<semaphore_mem>>
      %dma_start3A_47 = arith.constant 0 : i32
      %dma_start3A_48 = tpu.memref_slice %arg12[%multiple_of3A, %dma_start3A_47] : memref<10016x128xf32, #tpu.memory_space<vmem_shared>> -> memref<624x128xf32, #tpu.memory_space<vmem_shared>>
      tpu.enqueue_dma source(%arg5 : memref<624x128xf32, #tpu.memory_space<hbm>>) target(%dma_start3A_48 : memref<624x128xf32, #tpu.memory_space<vmem_shared>>) target_semaphore(%run_scoped3A_46 : memref<!tpu.dma_semaphore, #tpu.memory_space<semaphore_mem>>)
      %dma_wait3A_49 = arith.constant 0 : i32
      %dma_wait3A_50 = tpu.memref_slice %arg12[%multiple_of3A, %dma_wait3A_49] : memref<10016x128xf32, #tpu.memory_space<vmem_shared>> -> memref<624x128xf32, #tpu.memory_space<vmem_shared>>
      tpu.wait_dma2 semaphore(%run_scoped3A_46 : memref<!tpu.dma_semaphore, #tpu.memory_space<semaphore_mem>>) src(%arg5 : memref<624x128xf32, #tpu.memory_space<hbm>>) dst(%dma_wait3A_50 : memref<624x128xf32, #tpu.memory_space<vmem_shared>>)
      tpu.yield
    }) : () -> ()
    %eq3A = arith.constant 0 : i32
    %eq3A_3 = arith.cmpi eq, %arg1, %eq3A : i32
    %convert_element_type3A = arith.extui %eq3A_3 : i1 to i32
    %cond3A = arith.constant 0 : i32
    %cond3A_4 = arith.cmpi ne, %convert_element_type3A, %cond3A : i32
    scf.if %cond3A_4 {
      "tpu.region"() ({
        %run_scoped3A_46 = tpu.sem_alloc : memref<!tpu.dma_semaphore, #tpu.memory_space<semaphore_mem>>
        %dma_start3A_47 = arith.constant 9984 : i32
        %dma_start3A_48 = arith.constant 0 : i32
        %dma_start3A_49 = tpu.memref_slice %arg12[%dma_start3A_47, %dma_start3A_48] : memref<10016x128xf32, #tpu.memory_space<vmem_shared>> -> memref<16x128xf32, #tpu.memory_space<vmem_shared>>
        %dma_start3A_50 = arith.constant 0 : i32
        %dma_start3A_51 = arith.constant 0 : i32
        %dma_start3A_52 = tpu.memref_slice %arg5[%dma_start3A_50, %dma_start3A_51] : memref<624x128xf32, #tpu.memory_space<hbm>> -> memref<16x128xf32, #tpu.memory_space<hbm>>
        tpu.enqueue_dma source(%dma_start3A_52 : memref<16x128xf32, #tpu.memory_space<hbm>>) target(%dma_start3A_49 : memref<16x128xf32, #tpu.memory_space<vmem_shared>>) target_semaphore(%run_scoped3A_46 : memref<!tpu.dma_semaphore, #tpu.memory_space<semaphore_mem>>)
        %dma_wait3A_53 = arith.constant 9984 : i32
        %dma_wait3A_54 = arith.constant 0 : i32
        %dma_wait3A_55 = tpu.memref_slice %arg12[%dma_wait3A_53, %dma_wait3A_54] : memref<10016x128xf32, #tpu.memory_space<vmem_shared>> -> memref<16x128xf32, #tpu.memory_space<vmem_shared>>
        %dma_wait3A_56 = arith.constant 0 : i32
        %dma_wait3A_57 = arith.constant 0 : i32
        %dma_wait3A_58 = tpu.memref_slice %arg5[%dma_wait3A_56, %dma_wait3A_57] : memref<624x128xf32, #tpu.memory_space<hbm>> -> memref<16x128xf32, #tpu.memory_space<hbm>>
        tpu.wait_dma2 semaphore(%run_scoped3A_46 : memref<!tpu.dma_semaphore, #tpu.memory_space<semaphore_mem>>) src(%dma_wait3A_58 : memref<16x128xf32, #tpu.memory_space<hbm>>) dst(%dma_wait3A_55 : memref<16x128xf32, #tpu.memory_space<vmem_shared>>)
        tpu.yield
      }) : () -> ()
    } else {
    }
    %barrier3A = arith.constant 0 : index
    tpu.barrier barrier_id(%barrier3A)
    %mul3A_5 = arith.constant 10240 : i32
    %mul3A_6 = arith.muli %add3A, %mul3A_5 : i32
    %add3A_7 = arith.constant 0 : i32
    %add3A_8 = arith.addi %mul3A_6, %add3A_7 : i32
    %multiple_of3A_9 = tpu.assume_multiple %add3A_8, 128 : i32
    %dma_start3A = tpu.memref_slice %arg3[%multiple_of3A_9] : memref<327680xi32, #tpu.memory_space<hbm>> -> memref<128xi32, #tpu.memory_space<hbm>>
    %dma_start3A_10 = tpu.memref_slice %arg3[%multiple_of3A_9] : memref<327680xi32, #tpu.memory_space<hbm>> -> memref<128xi32, #tpu.memory_space<hbm>>
    tpu.enqueue_dma source(%dma_start3A_10 : memref<128xi32, #tpu.memory_space<hbm>>) target(%arg8 : memref<128xi32, #tpu.memory_space<vmem>>) target_semaphore(%arg15 : memref<!tpu.dma_semaphore, #tpu.memory_space<semaphore_mem>>)
    %dma_wait3A = tpu.memref_slice %arg3[%multiple_of3A_9] : memref<327680xi32, #tpu.memory_space<hbm>> -> memref<128xi32, #tpu.memory_space<hbm>>
    %dma_wait3A_11 = tpu.memref_slice %arg3[%multiple_of3A_9] : memref<327680xi32, #tpu.memory_space<hbm>> -> memref<128xi32, #tpu.memory_space<hbm>>
    tpu.wait_dma2 semaphore(%arg15 : memref<!tpu.dma_semaphore, #tpu.memory_space<semaphore_mem>>) src(%dma_wait3A_11 : memref<128xi32, #tpu.memory_space<hbm>>) dst(%arg8 : memref<128xi32, #tpu.memory_space<vmem>>)
    %dma_start3A_12 = arith.constant 0 : i32
    %dma_start3A_13 = arith.constant 0 : i32
    %dma_start3A_14 = tpu.memref_slice %arg2[%dma_start3A_12, %dma_start3A_13] : memref<10000x128xf32, #tpu.memory_space<hbm>> -> memref<10000x128xf32, #tpu.memory_space<hbm>>
    tpu.enqueue_indirect_dma source(%dma_start3A_14 : memref<10000x128xf32, #tpu.memory_space<hbm>>) target(%arg10 : memref<128x128xf32, #tpu.memory_space<vmem>>) offsets(%arg8 : memref<128xi32, #tpu.memory_space<vmem>>) semaphore(%arg13 : memref<!tpu.dma_semaphore, #tpu.memory_space<semaphore_mem>>)
    %scan3A = arith.constant 0 : i32
    %scan3A_15 = arith.constant 0 : i32
    %scan3A_16 = arith.constant 39 : i32
    %scan3A_17 = arith.addi %scan3A_15, %scan3A_16 : i32
    %scan3A_18 = arith.constant 1 : i32
    scf.for %scan3A_46 = %scan3A_15 to %scan3A_17 step %scan3A_18  : i32 {
      %mul3A_47 = arith.constant 2 : i32
      %mul3A_48 = arith.muli %scan3A_46, %mul3A_47 : i32
      %add3A_49 = arith.constant 1 : i32
      %add3A_50 = arith.addi %mul3A_48, %add3A_49 : i32
      %mul3A_51 = arith.constant 10240 : i32
      %mul3A_52 = arith.muli %add3A, %mul3A_51 : i32
      %mul3A_53 = arith.constant 128 : i32
      %mul3A_54 = arith.muli %add3A_50, %mul3A_53 : i32
      %add3A_55 = arith.addi %mul3A_52, %mul3A_54 : i32
      %multiple_of3A_56 = tpu.assume_multiple %add3A_55, 128 : i32
      %dma_start3A_57 = tpu.memref_slice %arg3[%multiple_of3A_56] : memref<327680xi32, #tpu.memory_space<hbm>> -> memref<128xi32, #tpu.memory_space<hbm>>
      %dma_start3A_58 = tpu.memref_slice %arg3[%multiple_of3A_56] : memref<327680xi32, #tpu.memory_space<hbm>> -> memref<128xi32, #tpu.memory_space<hbm>>
      tpu.enqueue_dma source(%dma_start3A_58 : memref<128xi32, #tpu.memory_space<hbm>>) target(%arg9 : memref<128xi32, #tpu.memory_space<vmem>>) target_semaphore(%arg15 : memref<!tpu.dma_semaphore, #tpu.memory_space<semaphore_mem>>)
      %dma_wait3A_59 = tpu.memref_slice %arg3[%multiple_of3A_56] : memref<327680xi32, #tpu.memory_space<hbm>> -> memref<128xi32, #tpu.memory_space<hbm>>
      %dma_wait3A_60 = tpu.memref_slice %arg3[%multiple_of3A_56] : memref<327680xi32, #tpu.memory_space<hbm>> -> memref<128xi32, #tpu.memory_space<hbm>>
      tpu.wait_dma2 semaphore(%arg15 : memref<!tpu.dma_semaphore, #tpu.memory_space<semaphore_mem>>) src(%dma_wait3A_60 : memref<128xi32, #tpu.memory_space<hbm>>) dst(%arg9 : memref<128xi32, #tpu.memory_space<vmem>>)
      %dma_start3A_61 = arith.constant 0 : i32
      %dma_start3A_62 = arith.constant 0 : i32
      %dma_start3A_63 = tpu.memref_slice %arg2[%dma_start3A_61, %dma_start3A_62] : memref<10000x128xf32, #tpu.memory_space<hbm>> -> memref<10000x128xf32, #tpu.memory_space<hbm>>
      tpu.enqueue_indirect_dma source(%dma_start3A_63 : memref<10000x128xf32, #tpu.memory_space<hbm>>) target(%arg11 : memref<128x128xf32, #tpu.memory_space<vmem>>) offsets(%arg9 : memref<128xi32, #tpu.memory_space<vmem>>) semaphore(%arg14 : memref<!tpu.dma_semaphore, #tpu.memory_space<semaphore_mem>>)
      %dma_wait3A_64 = arith.constant 0 : i32
      %dma_wait3A_65 = arith.constant 0 : i32
      %dma_wait3A_66 = tpu.memref_slice %arg2[%dma_wait3A_64, %dma_wait3A_65] : memref<10000x128xf32, #tpu.memory_space<hbm>> -> memref<10000x128xf32, #tpu.memory_space<hbm>>
      tpu.wait_indirect_dma semaphore(%arg13 : memref<!tpu.dma_semaphore, #tpu.memory_space<semaphore_mem>>) src(%dma_wait3A_66 : memref<10000x128xf32, #tpu.memory_space<hbm>>) dst(%arg10 : memref<128x128xf32, #tpu.memory_space<vmem>>)
      "tpu.region"() ({
        %run_scoped3A_88 = tpu.sem_alloc : memref<!tpu.dma_semaphore, #tpu.memory_space<semaphore_mem>>
        %dma_start3A_89 = arith.constant 0 : i32
        %dma_start3A_90 = tpu.memref_slice %arg7[%mul3A_48, %dma_start3A_89] : memref<80x128xi32, #tpu.memory_space<vmem>> -> memref<1x128xi32, #tpu.memory_space<vmem>>
        %dma_start3A_91 = tpu.memref_squeeze %dma_start3A_90 : memref<1x128xi32, #tpu.memory_space<vmem>> -> memref<128xi32, #tpu.memory_space<vmem>>
        %dma_start3A_92 = arith.constant 0 : i32
        %dma_start3A_93 = arith.constant 0 : i32
        %dma_start3A_94 = tpu.memref_slice %arg12[%dma_start3A_92, %dma_start3A_93] : memref<10016x128xf32, #tpu.memory_space<vmem_shared>> -> memref<10016x128xf32, #tpu.memory_space<vmem_shared>>
        tpu.enqueue_indirect_dma source(%arg10 : memref<128x128xf32, #tpu.memory_space<vmem>>) target(%dma_start3A_94 : memref<10016x128xf32, #tpu.memory_space<vmem_shared>>) offsets(%dma_start3A_91 : memref<128xi32, #tpu.memory_space<vmem>>) semaphore(%run_scoped3A_88 : memref<!tpu.dma_semaphore, #tpu.memory_space<semaphore_mem>>) {add = true}
        %dma_wait3A_95 = arith.constant 0 : i32
        %dma_wait3A_96 = tpu.memref_slice %arg7[%mul3A_48, %dma_wait3A_95] : memref<80x128xi32, #tpu.memory_space<vmem>> -> memref<1x128xi32, #tpu.memory_space<vmem>>
        %dma_wait3A_97 = tpu.memref_squeeze %dma_wait3A_96 : memref<1x128xi32, #tpu.memory_space<vmem>> -> memref<128xi32, #tpu.memory_space<vmem>>
        %dma_wait3A_98 = arith.constant 0 : i32
        %dma_wait3A_99 = arith.constant 0 : i32
        %dma_wait3A_100 = tpu.memref_slice %arg12[%dma_wait3A_98, %dma_wait3A_99] : memref<10016x128xf32, #tpu.memory_space<vmem_shared>> -> memref<10016x128xf32, #tpu.memory_space<vmem_shared>>
        tpu.wait_indirect_dma semaphore(%run_scoped3A_88 : memref<!tpu.dma_semaphore, #tpu.memory_space<semaphore_mem>>) src(%arg10 : memref<128x128xf32, #tpu.memory_space<vmem>>) dst(%dma_wait3A_100 : memref<10016x128xf32, #tpu.memory_space<vmem_shared>>)
        tpu.yield
      }) : () -> ()
      %add3A_67 = arith.constant 2 : i32
      %add3A_68 = arith.addi %mul3A_48, %add3A_67 : i32
      %min3A = arith.constant 79 : i32
      %min3A_69 = arith.minsi %add3A_68, %min3A : i32
      %mul3A_70 = arith.constant 10240 : i32
      %mul3A_71 = arith.muli %add3A, %mul3A_70 : i32
      %mul3A_72 = arith.constant 128 : i32
      %mul3A_73 = arith.muli %min3A_69, %mul3A_72 : i32
      %add3A_74 = arith.addi %mul3A_71, %mul3A_73 : i32
      %multiple_of3A_75 = tpu.assume_multiple %add3A_74, 128 : i32
      %dma_start3A_76 = tpu.memref_slice %arg3[%multiple_of3A_75] : memref<327680xi32, #tpu.memory_space<hbm>> -> memref<128xi32, #tpu.memory_space<hbm>>
      %dma_start3A_77 = tpu.memref_slice %arg3[%multiple_of3A_75] : memref<327680xi32, #tpu.memory_space<hbm>> -> memref<128xi32, #tpu.memory_space<hbm>>
      tpu.enqueue_dma source(%dma_start3A_77 : memref<128xi32, #tpu.memory_space<hbm>>) target(%arg8 : memref<128xi32, #tpu.memory_space<vmem>>) target_semaphore(%arg15 : memref<!tpu.dma_semaphore, #tpu.memory_space<semaphore_mem>>)
      %dma_wait3A_78 = tpu.memref_slice %arg3[%multiple_of3A_75] : memref<327680xi32, #tpu.memory_space<hbm>> -> memref<128xi32, #tpu.memory_space<hbm>>
      %dma_wait3A_79 = tpu.memref_slice %arg3[%multiple_of3A_75] : memref<327680xi32, #tpu.memory_space<hbm>> -> memref<128xi32, #tpu.memory_space<hbm>>
      tpu.wait_dma2 semaphore(%arg15 : memref<!tpu.dma_semaphore, #tpu.memory_space<semaphore_mem>>) src(%dma_wait3A_79 : memref<128xi32, #tpu.memory_space<hbm>>) dst(%arg8 : memref<128xi32, #tpu.memory_space<vmem>>)
      %dma_start3A_80 = arith.constant 0 : i32
      %dma_start3A_81 = arith.constant 0 : i32
      %dma_start3A_82 = tpu.memref_slice %arg2[%dma_start3A_80, %dma_start3A_81] : memref<10000x128xf32, #tpu.memory_space<hbm>> -> memref<10000x128xf32, #tpu.memory_space<hbm>>
      tpu.enqueue_indirect_dma source(%dma_start3A_82 : memref<10000x128xf32, #tpu.memory_space<hbm>>) target(%arg10 : memref<128x128xf32, #tpu.memory_space<vmem>>) offsets(%arg8 : memref<128xi32, #tpu.memory_space<vmem>>) semaphore(%arg13 : memref<!tpu.dma_semaphore, #tpu.memory_space<semaphore_mem>>)
      %dma_wait3A_83 = arith.constant 0 : i32
      %dma_wait3A_84 = arith.constant 0 : i32
      %dma_wait3A_85 = tpu.memref_slice %arg2[%dma_wait3A_83, %dma_wait3A_84] : memref<10000x128xf32, #tpu.memory_space<hbm>> -> memref<10000x128xf32, #tpu.memory_space<hbm>>
      tpu.wait_indirect_dma semaphore(%arg14 : memref<!tpu.dma_semaphore, #tpu.memory_space<semaphore_mem>>) src(%dma_wait3A_85 : memref<10000x128xf32, #tpu.memory_space<hbm>>) dst(%arg11 : memref<128x128xf32, #tpu.memory_space<vmem>>)
      %add3A_86 = arith.constant 1 : i32
      %add3A_87 = arith.addi %mul3A_48, %add3A_86 : i32
      "tpu.region"() ({
        %run_scoped3A_88 = tpu.sem_alloc : memref<!tpu.dma_semaphore, #tpu.memory_space<semaphore_mem>>
        %dma_start3A_89 = arith.constant 0 : i32
        %dma_start3A_90 = tpu.memref_slice %arg7[%add3A_87, %dma_start3A_89] : memref<80x128xi32, #tpu.memory_space<vmem>> -> memref<1x128xi32, #tpu.memory_space<vmem>>
        %dma_start3A_91 = tpu.memref_squeeze %dma_start3A_90 : memref<1x128xi32, #tpu.memory_space<vmem>> -> memref<128xi32, #tpu.memory_space<vmem>>
        %dma_start3A_92 = arith.constant 0 : i32
        %dma_start3A_93 = arith.constant 0 : i32
        %dma_start3A_94 = tpu.memref_slice %arg12[%dma_start3A_92, %dma_start3A_93] : memref<10016x128xf32, #tpu.memory_space<vmem_shared>> -> memref<10016x128xf32, #tpu.memory_space<vmem_shared>>
        tpu.enqueue_indirect_dma source(%arg11 : memref<128x128xf32, #tpu.memory_space<vmem>>) target(%dma_start3A_94 : memref<10016x128xf32, #tpu.memory_space<vmem_shared>>) offsets(%dma_start3A_91 : memref<128xi32, #tpu.memory_space<vmem>>) semaphore(%run_scoped3A_88 : memref<!tpu.dma_semaphore, #tpu.memory_space<semaphore_mem>>) {add = true}
        %dma_wait3A_95 = arith.constant 0 : i32
        %dma_wait3A_96 = tpu.memref_slice %arg7[%add3A_87, %dma_wait3A_95] : memref<80x128xi32, #tpu.memory_space<vmem>> -> memref<1x128xi32, #tpu.memory_space<vmem>>
        %dma_wait3A_97 = tpu.memref_squeeze %dma_wait3A_96 : memref<1x128xi32, #tpu.memory_space<vmem>> -> memref<128xi32, #tpu.memory_space<vmem>>
        %dma_wait3A_98 = arith.constant 0 : i32
        %dma_wait3A_99 = arith.constant 0 : i32
        %dma_wait3A_100 = tpu.memref_slice %arg12[%dma_wait3A_98, %dma_wait3A_99] : memref<10016x128xf32, #tpu.memory_space<vmem_shared>> -> memref<10016x128xf32, #tpu.memory_space<vmem_shared>>
        tpu.wait_indirect_dma semaphore(%run_scoped3A_88 : memref<!tpu.dma_semaphore, #tpu.memory_space<semaphore_mem>>) src(%arg11 : memref<128x128xf32, #tpu.memory_space<vmem>>) dst(%dma_wait3A_100 : memref<10016x128xf32, #tpu.memory_space<vmem_shared>>)
        tpu.yield
      }) : () -> ()
    }
    %scan3A_19 = arith.constant 39 : i32
    %dma_wait3A_20 = arith.constant 0 : i32
    %dma_wait3A_21 = arith.constant 0 : i32
    %dma_wait3A_22 = tpu.memref_slice %arg2[%dma_wait3A_20, %dma_wait3A_21] : memref<10000x128xf32, #tpu.memory_space<hbm>> -> memref<10000x128xf32, #tpu.memory_space<hbm>>
    tpu.wait_indirect_dma semaphore(%arg13 : memref<!tpu.dma_semaphore, #tpu.memory_space<semaphore_mem>>) src(%dma_wait3A_22 : memref<10000x128xf32, #tpu.memory_space<hbm>>) dst(%arg10 : memref<128x128xf32, #tpu.memory_space<vmem>>)
    %run_scoped3A_23 = arith.constant 78 : i32
    "tpu.region"() ({
      %run_scoped3A_46 = tpu.sem_alloc : memref<!tpu.dma_semaphore, #tpu.memory_space<semaphore_mem>>
      %dma_start3A_47 = arith.constant 0 : i32
      %dma_start3A_48 = tpu.memref_slice %arg7[%run_scoped3A_23, %dma_start3A_47] : memref<80x128xi32, #tpu.memory_space<vmem>> -> memref<1x128xi32, #tpu.memory_space<vmem>>
      %dma_start3A_49 = tpu.memref_squeeze %dma_start3A_48 : memref<1x128xi32, #tpu.memory_space<vmem>> -> memref<128xi32, #tpu.memory_space<vmem>>
      %dma_start3A_50 = arith.constant 0 : i32
      %dma_start3A_51 = arith.constant 0 : i32
      %dma_start3A_52 = tpu.memref_slice %arg12[%dma_start3A_50, %dma_start3A_51] : memref<10016x128xf32, #tpu.memory_space<vmem_shared>> -> memref<10016x128xf32, #tpu.memory_space<vmem_shared>>
      tpu.enqueue_indirect_dma source(%arg10 : memref<128x128xf32, #tpu.memory_space<vmem>>) target(%dma_start3A_52 : memref<10016x128xf32, #tpu.memory_space<vmem_shared>>) offsets(%dma_start3A_49 : memref<128xi32, #tpu.memory_space<vmem>>) semaphore(%run_scoped3A_46 : memref<!tpu.dma_semaphore, #tpu.memory_space<semaphore_mem>>) {add = true}
      %dma_wait3A_53 = arith.constant 0 : i32
      %dma_wait3A_54 = tpu.memref_slice %arg7[%run_scoped3A_23, %dma_wait3A_53] : memref<80x128xi32, #tpu.memory_space<vmem>> -> memref<1x128xi32, #tpu.memory_space<vmem>>
      %dma_wait3A_55 = tpu.memref_squeeze %dma_wait3A_54 : memref<1x128xi32, #tpu.memory_space<vmem>> -> memref<128xi32, #tpu.memory_space<vmem>>
      %dma_wait3A_56 = arith.constant 0 : i32
      %dma_wait3A_57 = arith.constant 0 : i32
      %dma_wait3A_58 = tpu.memref_slice %arg12[%dma_wait3A_56, %dma_wait3A_57] : memref<10016x128xf32, #tpu.memory_space<vmem_shared>> -> memref<10016x128xf32, #tpu.memory_space<vmem_shared>>
      tpu.wait_indirect_dma semaphore(%run_scoped3A_46 : memref<!tpu.dma_semaphore, #tpu.memory_space<semaphore_mem>>) src(%arg10 : memref<128x128xf32, #tpu.memory_space<vmem>>) dst(%dma_wait3A_58 : memref<10016x128xf32, #tpu.memory_space<vmem_shared>>)
      tpu.yield
    }) : () -> ()
    %mul3A_24 = arith.constant 10240 : i32
    %mul3A_25 = arith.muli %add3A, %mul3A_24 : i32
    %add3A_26 = arith.constant 10112 : i32
    %add3A_27 = arith.addi %mul3A_25, %add3A_26 : i32
    %multiple_of3A_28 = tpu.assume_multiple %add3A_27, 128 : i32
    %dma_start3A_29 = tpu.memref_slice %arg3[%multiple_of3A_28] : memref<327680xi32, #tpu.memory_space<hbm>> -> memref<128xi32, #tpu.memory_space<hbm>>
    %dma_start3A_30 = tpu.memref_slice %arg3[%multiple_of3A_28] : memref<327680xi32, #tpu.memory_space<hbm>> -> memref<128xi32, #tpu.memory_space<hbm>>
    tpu.enqueue_dma source(%dma_start3A_30 : memref<128xi32, #tpu.memory_space<hbm>>) target(%arg9 : memref<128xi32, #tpu.memory_space<vmem>>) target_semaphore(%arg15 : memref<!tpu.dma_semaphore, #tpu.memory_space<semaphore_mem>>)
    %dma_wait3A_31 = tpu.memref_slice %arg3[%multiple_of3A_28] : memref<327680xi32, #tpu.memory_space<hbm>> -> memref<128xi32, #tpu.memory_space<hbm>>
    %dma_wait3A_32 = tpu.memref_slice %arg3[%multiple_of3A_28] : memref<327680xi32, #tpu.memory_space<hbm>> -> memref<128xi32, #tpu.memory_space<hbm>>
    tpu.wait_dma2 semaphore(%arg15 : memref<!tpu.dma_semaphore, #tpu.memory_space<semaphore_mem>>) src(%dma_wait3A_32 : memref<128xi32, #tpu.memory_space<hbm>>) dst(%arg9 : memref<128xi32, #tpu.memory_space<vmem>>)
    %dma_start3A_33 = arith.constant 0 : i32
    %dma_start3A_34 = arith.constant 0 : i32
    %dma_start3A_35 = tpu.memref_slice %arg2[%dma_start3A_33, %dma_start3A_34] : memref<10000x128xf32, #tpu.memory_space<hbm>> -> memref<10000x128xf32, #tpu.memory_space<hbm>>
    tpu.enqueue_indirect_dma source(%dma_start3A_35 : memref<10000x128xf32, #tpu.memory_space<hbm>>) target(%arg11 : memref<128x128xf32, #tpu.memory_space<vmem>>) offsets(%arg9 : memref<128xi32, #tpu.memory_space<vmem>>) semaphore(%arg14 : memref<!tpu.dma_semaphore, #tpu.memory_space<semaphore_mem>>)
    %dma_wait3A_36 = arith.constant 0 : i32
    %dma_wait3A_37 = arith.constant 0 : i32
    %dma_wait3A_38 = tpu.memref_slice %arg2[%dma_wait3A_36, %dma_wait3A_37] : memref<10000x128xf32, #tpu.memory_space<hbm>> -> memref<10000x128xf32, #tpu.memory_space<hbm>>
    tpu.wait_indirect_dma semaphore(%arg14 : memref<!tpu.dma_semaphore, #tpu.memory_space<semaphore_mem>>) src(%dma_wait3A_38 : memref<10000x128xf32, #tpu.memory_space<hbm>>) dst(%arg11 : memref<128x128xf32, #tpu.memory_space<vmem>>)
    %run_scoped3A_39 = arith.constant 79 : i32
    "tpu.region"() ({
      %run_scoped3A_46 = tpu.sem_alloc : memref<!tpu.dma_semaphore, #tpu.memory_space<semaphore_mem>>
      %dma_start3A_47 = arith.constant 0 : i32
      %dma_start3A_48 = tpu.memref_slice %arg7[%run_scoped3A_39, %dma_start3A_47] : memref<80x128xi32, #tpu.memory_space<vmem>> -> memref<1x128xi32, #tpu.memory_space<vmem>>
      %dma_start3A_49 = tpu.memref_squeeze %dma_start3A_48 : memref<1x128xi32, #tpu.memory_space<vmem>> -> memref<128xi32, #tpu.memory_space<vmem>>
      %dma_start3A_50 = arith.constant 0 : i32
      %dma_start3A_51 = arith.constant 0 : i32
      %dma_start3A_52 = tpu.memref_slice %arg12[%dma_start3A_50, %dma_start3A_51] : memref<10016x128xf32, #tpu.memory_space<vmem_shared>> -> memref<10016x128xf32, #tpu.memory_space<vmem_shared>>
      tpu.enqueue_indirect_dma source(%arg11 : memref<128x128xf32, #tpu.memory_space<vmem>>) target(%dma_start3A_52 : memref<10016x128xf32, #tpu.memory_space<vmem_shared>>) offsets(%dma_start3A_49 : memref<128xi32, #tpu.memory_space<vmem>>) semaphore(%run_scoped3A_46 : memref<!tpu.dma_semaphore, #tpu.memory_space<semaphore_mem>>) {add = true}
      %dma_wait3A_53 = arith.constant 0 : i32
      %dma_wait3A_54 = tpu.memref_slice %arg7[%run_scoped3A_39, %dma_wait3A_53] : memref<80x128xi32, #tpu.memory_space<vmem>> -> memref<1x128xi32, #tpu.memory_space<vmem>>
      %dma_wait3A_55 = tpu.memref_squeeze %dma_wait3A_54 : memref<1x128xi32, #tpu.memory_space<vmem>> -> memref<128xi32, #tpu.memory_space<vmem>>
      %dma_wait3A_56 = arith.constant 0 : i32
      %dma_wait3A_57 = arith.constant 0 : i32
      %dma_wait3A_58 = tpu.memref_slice %arg12[%dma_wait3A_56, %dma_wait3A_57] : memref<10016x128xf32, #tpu.memory_space<vmem_shared>> -> memref<10016x128xf32, #tpu.memory_space<vmem_shared>>
      tpu.wait_indirect_dma semaphore(%run_scoped3A_46 : memref<!tpu.dma_semaphore, #tpu.memory_space<semaphore_mem>>) src(%arg11 : memref<128x128xf32, #tpu.memory_space<vmem>>) dst(%dma_wait3A_58 : memref<10016x128xf32, #tpu.memory_space<vmem_shared>>)
      tpu.yield
    }) : () -> ()
    %barrier3A_40 = arith.constant 0 : index
    tpu.barrier barrier_id(%barrier3A_40)
    "tpu.region"() ({
      %run_scoped3A_46 = tpu.sem_alloc : memref<!tpu.dma_semaphore, #tpu.memory_space<semaphore_mem>>
      %dma_start3A_47 = arith.constant 0 : i32
      %dma_start3A_48 = tpu.memref_slice %arg6[%arg0, %multiple_of3A, %dma_start3A_47] : memref<2x10000x128xf32, #tpu.memory_space<hbm>> -> memref<1x624x128xf32, #tpu.memory_space<hbm>>
      %dma_start3A_49 = tpu.memref_squeeze %dma_start3A_48 : memref<1x624x128xf32, #tpu.memory_space<hbm>> -> memref<624x128xf32, #tpu.memory_space<hbm>>
      %dma_start3A_50 = arith.constant 0 : i32
      %dma_start3A_51 = tpu.memref_slice %arg12[%multiple_of3A, %dma_start3A_50] : memref<10016x128xf32, #tpu.memory_space<vmem_shared>> -> memref<624x128xf32, #tpu.memory_space<vmem_shared>>
      tpu.enqueue_dma source(%dma_start3A_51 : memref<624x128xf32, #tpu.memory_space<vmem_shared>>) target(%dma_start3A_49 : memref<624x128xf32, #tpu.memory_space<hbm>>) target_semaphore(%run_scoped3A_46 : memref<!tpu.dma_semaphore, #tpu.memory_space<semaphore_mem>>)
      %dma_wait3A_52 = arith.constant 0 : i32
      %dma_wait3A_53 = tpu.memref_slice %arg6[%arg0, %multiple_of3A, %dma_wait3A_52] : memref<2x10000x128xf32, #tpu.memory_space<hbm>> -> memref<1x624x128xf32, #tpu.memory_space<hbm>>
      %dma_wait3A_54 = tpu.memref_squeeze %dma_wait3A_53 : memref<1x624x128xf32, #tpu.memory_space<hbm>> -> memref<624x128xf32, #tpu.memory_space<hbm>>
      %dma_wait3A_55 = arith.constant 0 : i32
      %dma_wait3A_56 = tpu.memref_slice %arg12[%multiple_of3A, %dma_wait3A_55] : memref<10016x128xf32, #tpu.memory_space<vmem_shared>> -> memref<624x128xf32, #tpu.memory_space<vmem_shared>>
      tpu.wait_dma2 semaphore(%run_scoped3A_46 : memref<!tpu.dma_semaphore, #tpu.memory_space<semaphore_mem>>) src(%dma_wait3A_56 : memref<624x128xf32, #tpu.memory_space<vmem_shared>>) dst(%dma_wait3A_54 : memref<624x128xf32, #tpu.memory_space<hbm>>)
      tpu.yield
    }) : () -> ()
    %eq3A_41 = arith.constant 0 : i32
    %eq3A_42 = arith.cmpi eq, %arg1, %eq3A_41 : i32
    %convert_element_type3A_43 = arith.extui %eq3A_42 : i1 to i32
    %cond3A_44 = arith.constant 0 : i32
    %cond3A_45 = arith.cmpi ne, %convert_element_type3A_43, %cond3A_44 : i32
    scf.if %cond3A_45 {
      "tpu.region"() ({
        %run_scoped3A_46 = tpu.sem_alloc : memref<!tpu.dma_semaphore, #tpu.memory_space<semaphore_mem>>
        %dma_start3A_47 = arith.constant 9984 : i32
        %dma_start3A_48 = arith.constant 0 : i32
        %dma_start3A_49 = tpu.memref_slice %arg6[%arg0, %dma_start3A_47, %dma_start3A_48] : memref<2x10000x128xf32, #tpu.memory_space<hbm>> -> memref<1x16x128xf32, #tpu.memory_space<hbm>>
        %dma_start3A_50 = tpu.memref_squeeze %dma_start3A_49 : memref<1x16x128xf32, #tpu.memory_space<hbm>> -> memref<16x128xf32, #tpu.memory_space<hbm>>
        %dma_start3A_51 = arith.constant 9984 : i32
        %dma_start3A_52 = arith.constant 0 : i32
        %dma_start3A_53 = tpu.memref_slice %arg12[%dma_start3A_51, %dma_start3A_52] : memref<10016x128xf32, #tpu.memory_space<vmem_shared>> -> memref<16x128xf32, #tpu.memory_space<vmem_shared>>
        tpu.enqueue_dma source(%dma_start3A_53 : memref<16x128xf32, #tpu.memory_space<vmem_shared>>) target(%dma_start3A_50 : memref<16x128xf32, #tpu.memory_space<hbm>>) target_semaphore(%run_scoped3A_46 : memref<!tpu.dma_semaphore, #tpu.memory_space<semaphore_mem>>)
        %dma_wait3A_54 = arith.constant 9984 : i32
        %dma_wait3A_55 = arith.constant 0 : i32
        %dma_wait3A_56 = tpu.memref_slice %arg6[%arg0, %dma_wait3A_54, %dma_wait3A_55] : memref<2x10000x128xf32, #tpu.memory_space<hbm>> -> memref<1x16x128xf32, #tpu.memory_space<hbm>>
        %dma_wait3A_57 = tpu.memref_squeeze %dma_wait3A_56 : memref<1x16x128xf32, #tpu.memory_space<hbm>> -> memref<16x128xf32, #tpu.memory_space<hbm>>
        %dma_wait3A_58 = arith.constant 9984 : i32
        %dma_wait3A_59 = arith.constant 0 : i32
        %dma_wait3A_60 = tpu.memref_slice %arg12[%dma_wait3A_58, %dma_wait3A_59] : memref<10016x128xf32, #tpu.memory_space<vmem_shared>> -> memref<16x128xf32, #tpu.memory_space<vmem_shared>>
        tpu.wait_dma2 semaphore(%run_scoped3A_46 : memref<!tpu.dma_semaphore, #tpu.memory_space<semaphore_mem>>) src(%dma_wait3A_60 : memref<16x128xf32, #tpu.memory_space<vmem_shared>>) dst(%dma_wait3A_57 : memref<16x128xf32, #tpu.memory_space<hbm>>)
        tpu.yield
      }) : () -> ()
    } else {
    }
    return
  }
}

#map = affine_map<(d0, d1) -> (0, 0)>
#map1 = affine_map<(d0, d1) -> (0)>
#map2 = affine_map<(d0, d1) -> (0, 0, 0, 0)>
#map3 = affine_map<(d0, d1) -> (0, 0, 0)>
module attributes {stable_mosaic.version = 14 : i64} {
  func.func @sc_sage_agg(%arg0: i32, %arg1: i32, %arg2: memref<10000x128xf32, #tpu.memory_space<hbm>>, %arg3: memref<327680xi32, #tpu.memory_space<hbm>>, %arg4: memref<2x32x80x128xi32, #tpu.memory_space<hbm>>, %arg5: memref<624x128xf32, #tpu.memory_space<hbm>>, %arg6: memref<2x10000x128xf32, #tpu.memory_space<hbm>>, %arg7: memref<80x128xi32, #tpu.memory_space<vmem>>, %arg8: memref<128xi32, #tpu.memory_space<vmem>>, %arg9: memref<128xi32, #tpu.memory_space<vmem>>, %arg10: memref<128x128xf32, #tpu.memory_space<vmem>>, %arg11: memref<128x128xf32, #tpu.memory_space<vmem>>, %arg12: memref<10016x128xf32, #tpu.memory_space<vmem_shared>>, %arg13: memref<!tpu.dma_semaphore, #tpu.memory_space<semaphore_mem>>, %arg14: memref<!tpu.dma_semaphore, #tpu.memory_space<semaphore_mem>>, %arg15: memref<!tpu.dma_semaphore, #tpu.memory_space<semaphore_mem>>) attributes {dimension_semantics = [#tpu.dimension_semantics<core_parallel>, #tpu.dimension_semantics<subcore_parallel>], iteration_bounds = array<i64: 2, 16>, scalar_prefetch = 0 : i64, scratch_operands = 9 : i64, tpu.core_type = #tpu.core_type<sc_vector_subcore>, window_params = [{transform_indices = #map}, {transform_indices = #map1}, {transform_indices = #map2}, {transform_indices = #map}, {transform_indices = #map3}]} {
    %mul3A = arith.constant 2 : i32
    %mul3A_0 = arith.muli %arg1, %mul3A : i32
    %add3A = arith.addi %mul3A_0, %arg0 : i32
    %run_scoped3A = arith.constant 1 : i32
    "tpu.region"() ({
      %run_scoped3A_46 = tpu.sem_alloc : memref<!tpu.dma_semaphore, #tpu.memory_space<semaphore_mem>>
      %dma_start3A_47 = arith.constant 0 : i32
      %dma_start3A_48 = arith.constant 0 : i32
      %dma_start3A_49 = tpu.memref_slice %arg4[%run_scoped3A, %add3A, %dma_start3A_47, %dma_start3A_48] : memref<2x32x80x128xi32, #tpu.memory_space<hbm>> -> memref<1x1x80x128xi32, #tpu.memory_space<hbm>>
      %dma_start3A_50 = tpu.memref_squeeze %dma_start3A_49 : memref<1x1x80x128xi32, #tpu.memory_space<hbm>> -> memref<80x128xi32, #tpu.memory_space<hbm>>
      %dma_start3A_51 = arith.constant 0 : i32
      %dma_start3A_52 = arith.constant 0 : i32
      %dma_start3A_53 = tpu.memref_slice %arg4[%run_scoped3A, %add3A, %dma_start3A_51, %dma_start3A_52] : memref<2x32x80x128xi32, #tpu.memory_space<hbm>> -> memref<1x1x80x128xi32, #tpu.memory_space<hbm>>
      %dma_start3A_54 = tpu.memref_squeeze %dma_start3A_53 : memref<1x1x80x128xi32, #tpu.memory_space<hbm>> -> memref<80x128xi32, #tpu.memory_space<hbm>>
      tpu.enqueue_dma source(%dma_start3A_54 : memref<80x128xi32, #tpu.memory_space<hbm>>) target(%arg7 : memref<80x128xi32, #tpu.memory_space<vmem>>) target_semaphore(%run_scoped3A_46 : memref<!tpu.dma_semaphore, #tpu.memory_space<semaphore_mem>>)
      %dma_wait3A_55 = arith.constant 0 : i32
      %dma_wait3A_56 = arith.constant 0 : i32
      %dma_wait3A_57 = tpu.memref_slice %arg4[%run_scoped3A, %add3A, %dma_wait3A_55, %dma_wait3A_56] : memref<2x32x80x128xi32, #tpu.memory_space<hbm>> -> memref<1x1x80x128xi32, #tpu.memory_space<hbm>>
      %dma_wait3A_58 = tpu.memref_squeeze %dma_wait3A_57 : memref<1x1x80x128xi32, #tpu.memory_space<hbm>> -> memref<80x128xi32, #tpu.memory_space<hbm>>
      %dma_wait3A_59 = arith.constant 0 : i32
      %dma_wait3A_60 = arith.constant 0 : i32
      %dma_wait3A_61 = tpu.memref_slice %arg4[%run_scoped3A, %add3A, %dma_wait3A_59, %dma_wait3A_60] : memref<2x32x80x128xi32, #tpu.memory_space<hbm>> -> memref<1x1x80x128xi32, #tpu.memory_space<hbm>>
      %dma_wait3A_62 = tpu.memref_squeeze %dma_wait3A_61 : memref<1x1x80x128xi32, #tpu.memory_space<hbm>> -> memref<80x128xi32, #tpu.memory_space<hbm>>
      tpu.wait_dma2 semaphore(%run_scoped3A_46 : memref<!tpu.dma_semaphore, #tpu.memory_space<semaphore_mem>>) src(%dma_wait3A_62 : memref<80x128xi32, #tpu.memory_space<hbm>>) dst(%arg7 : memref<80x128xi32, #tpu.memory_space<vmem>>)
      tpu.yield
    }) : () -> ()
    %mul3A_1 = arith.constant 624 : i32
    %mul3A_2 = arith.muli %arg1, %mul3A_1 : i32
    %multiple_of3A = tpu.assume_multiple %mul3A_2, 8 : i32
    "tpu.region"() ({
      %run_scoped3A_46 = tpu.sem_alloc : memref<!tpu.dma_semaphore, #tpu.memory_space<semaphore_mem>>
      %dma_start3A_47 = arith.constant 0 : i32
      %dma_start3A_48 = tpu.memref_slice %arg12[%multiple_of3A, %dma_start3A_47] : memref<10016x128xf32, #tpu.memory_space<vmem_shared>> -> memref<624x128xf32, #tpu.memory_space<vmem_shared>>
      tpu.enqueue_dma source(%arg5 : memref<624x128xf32, #tpu.memory_space<hbm>>) target(%dma_start3A_48 : memref<624x128xf32, #tpu.memory_space<vmem_shared>>) target_semaphore(%run_scoped3A_46 : memref<!tpu.dma_semaphore, #tpu.memory_space<semaphore_mem>>)
      %dma_wait3A_49 = arith.constant 0 : i32
      %dma_wait3A_50 = tpu.memref_slice %arg12[%multiple_of3A, %dma_wait3A_49] : memref<10016x128xf32, #tpu.memory_space<vmem_shared>> -> memref<624x128xf32, #tpu.memory_space<vmem_shared>>
      tpu.wait_dma2 semaphore(%run_scoped3A_46 : memref<!tpu.dma_semaphore, #tpu.memory_space<semaphore_mem>>) src(%arg5 : memref<624x128xf32, #tpu.memory_space<hbm>>) dst(%dma_wait3A_50 : memref<624x128xf32, #tpu.memory_space<vmem_shared>>)
      tpu.yield
    }) : () -> ()
    %eq3A = arith.constant 0 : i32
    %eq3A_3 = arith.cmpi eq, %arg1, %eq3A : i32
    %convert_element_type3A = arith.extui %eq3A_3 : i1 to i32
    %cond3A = arith.constant 0 : i32
    %cond3A_4 = arith.cmpi ne, %convert_element_type3A, %cond3A : i32
    scf.if %cond3A_4 {
      "tpu.region"() ({
        %run_scoped3A_46 = tpu.sem_alloc : memref<!tpu.dma_semaphore, #tpu.memory_space<semaphore_mem>>
        %dma_start3A_47 = arith.constant 9984 : i32
        %dma_start3A_48 = arith.constant 0 : i32
        %dma_start3A_49 = tpu.memref_slice %arg12[%dma_start3A_47, %dma_start3A_48] : memref<10016x128xf32, #tpu.memory_space<vmem_shared>> -> memref<16x128xf32, #tpu.memory_space<vmem_shared>>
        %dma_start3A_50 = arith.constant 0 : i32
        %dma_start3A_51 = arith.constant 0 : i32
        %dma_start3A_52 = tpu.memref_slice %arg5[%dma_start3A_50, %dma_start3A_51] : memref<624x128xf32, #tpu.memory_space<hbm>> -> memref<16x128xf32, #tpu.memory_space<hbm>>
        tpu.enqueue_dma source(%dma_start3A_52 : memref<16x128xf32, #tpu.memory_space<hbm>>) target(%dma_start3A_49 : memref<16x128xf32, #tpu.memory_space<vmem_shared>>) target_semaphore(%run_scoped3A_46 : memref<!tpu.dma_semaphore, #tpu.memory_space<semaphore_mem>>)
        %dma_wait3A_53 = arith.constant 9984 : i32
        %dma_wait3A_54 = arith.constant 0 : i32
        %dma_wait3A_55 = tpu.memref_slice %arg12[%dma_wait3A_53, %dma_wait3A_54] : memref<10016x128xf32, #tpu.memory_space<vmem_shared>> -> memref<16x128xf32, #tpu.memory_space<vmem_shared>>
        %dma_wait3A_56 = arith.constant 0 : i32
        %dma_wait3A_57 = arith.constant 0 : i32
        %dma_wait3A_58 = tpu.memref_slice %arg5[%dma_wait3A_56, %dma_wait3A_57] : memref<624x128xf32, #tpu.memory_space<hbm>> -> memref<16x128xf32, #tpu.memory_space<hbm>>
        tpu.wait_dma2 semaphore(%run_scoped3A_46 : memref<!tpu.dma_semaphore, #tpu.memory_space<semaphore_mem>>) src(%dma_wait3A_58 : memref<16x128xf32, #tpu.memory_space<hbm>>) dst(%dma_wait3A_55 : memref<16x128xf32, #tpu.memory_space<vmem_shared>>)
        tpu.yield
      }) : () -> ()
    } else {
    }
    %barrier3A = arith.constant 0 : index
    tpu.barrier barrier_id(%barrier3A)
    %mul3A_5 = arith.constant 10240 : i32
    %mul3A_6 = arith.muli %add3A, %mul3A_5 : i32
    %add3A_7 = arith.constant 0 : i32
    %add3A_8 = arith.addi %mul3A_6, %add3A_7 : i32
    %multiple_of3A_9 = tpu.assume_multiple %add3A_8, 128 : i32
    %dma_start3A = tpu.memref_slice %arg3[%multiple_of3A_9] : memref<327680xi32, #tpu.memory_space<hbm>> -> memref<128xi32, #tpu.memory_space<hbm>>
    %dma_start3A_10 = tpu.memref_slice %arg3[%multiple_of3A_9] : memref<327680xi32, #tpu.memory_space<hbm>> -> memref<128xi32, #tpu.memory_space<hbm>>
    tpu.enqueue_dma source(%dma_start3A_10 : memref<128xi32, #tpu.memory_space<hbm>>) target(%arg8 : memref<128xi32, #tpu.memory_space<vmem>>) target_semaphore(%arg15 : memref<!tpu.dma_semaphore, #tpu.memory_space<semaphore_mem>>)
    %dma_wait3A = tpu.memref_slice %arg3[%multiple_of3A_9] : memref<327680xi32, #tpu.memory_space<hbm>> -> memref<128xi32, #tpu.memory_space<hbm>>
    %dma_wait3A_11 = tpu.memref_slice %arg3[%multiple_of3A_9] : memref<327680xi32, #tpu.memory_space<hbm>> -> memref<128xi32, #tpu.memory_space<hbm>>
    tpu.wait_dma2 semaphore(%arg15 : memref<!tpu.dma_semaphore, #tpu.memory_space<semaphore_mem>>) src(%dma_wait3A_11 : memref<128xi32, #tpu.memory_space<hbm>>) dst(%arg8 : memref<128xi32, #tpu.memory_space<vmem>>)
    %dma_start3A_12 = arith.constant 0 : i32
    %dma_start3A_13 = arith.constant 0 : i32
    %dma_start3A_14 = tpu.memref_slice %arg2[%dma_start3A_12, %dma_start3A_13] : memref<10000x128xf32, #tpu.memory_space<hbm>> -> memref<10000x128xf32, #tpu.memory_space<hbm>>
    tpu.enqueue_indirect_dma source(%dma_start3A_14 : memref<10000x128xf32, #tpu.memory_space<hbm>>) target(%arg10 : memref<128x128xf32, #tpu.memory_space<vmem>>) offsets(%arg8 : memref<128xi32, #tpu.memory_space<vmem>>) semaphore(%arg13 : memref<!tpu.dma_semaphore, #tpu.memory_space<semaphore_mem>>)
    %scan3A = arith.constant 0 : i32
    %scan3A_15 = arith.constant 0 : i32
    %scan3A_16 = arith.constant 39 : i32
    %scan3A_17 = arith.addi %scan3A_15, %scan3A_16 : i32
    %scan3A_18 = arith.constant 1 : i32
    scf.for %scan3A_46 = %scan3A_15 to %scan3A_17 step %scan3A_18  : i32 {
      %mul3A_47 = arith.constant 2 : i32
      %mul3A_48 = arith.muli %scan3A_46, %mul3A_47 : i32
      %add3A_49 = arith.constant 1 : i32
      %add3A_50 = arith.addi %mul3A_48, %add3A_49 : i32
      %mul3A_51 = arith.constant 10240 : i32
      %mul3A_52 = arith.muli %add3A, %mul3A_51 : i32
      %mul3A_53 = arith.constant 128 : i32
      %mul3A_54 = arith.muli %add3A_50, %mul3A_53 : i32
      %add3A_55 = arith.addi %mul3A_52, %mul3A_54 : i32
      %multiple_of3A_56 = tpu.assume_multiple %add3A_55, 128 : i32
      %dma_start3A_57 = tpu.memref_slice %arg3[%multiple_of3A_56] : memref<327680xi32, #tpu.memory_space<hbm>> -> memref<128xi32, #tpu.memory_space<hbm>>
      %dma_start3A_58 = tpu.memref_slice %arg3[%multiple_of3A_56] : memref<327680xi32, #tpu.memory_space<hbm>> -> memref<128xi32, #tpu.memory_space<hbm>>
      tpu.enqueue_dma source(%dma_start3A_58 : memref<128xi32, #tpu.memory_space<hbm>>) target(%arg9 : memref<128xi32, #tpu.memory_space<vmem>>) target_semaphore(%arg15 : memref<!tpu.dma_semaphore, #tpu.memory_space<semaphore_mem>>)
      %dma_wait3A_59 = tpu.memref_slice %arg3[%multiple_of3A_56] : memref<327680xi32, #tpu.memory_space<hbm>> -> memref<128xi32, #tpu.memory_space<hbm>>
      %dma_wait3A_60 = tpu.memref_slice %arg3[%multiple_of3A_56] : memref<327680xi32, #tpu.memory_space<hbm>> -> memref<128xi32, #tpu.memory_space<hbm>>
      tpu.wait_dma2 semaphore(%arg15 : memref<!tpu.dma_semaphore, #tpu.memory_space<semaphore_mem>>) src(%dma_wait3A_60 : memref<128xi32, #tpu.memory_space<hbm>>) dst(%arg9 : memref<128xi32, #tpu.memory_space<vmem>>)
      %dma_start3A_61 = arith.constant 0 : i32
      %dma_start3A_62 = arith.constant 0 : i32
      %dma_start3A_63 = tpu.memref_slice %arg2[%dma_start3A_61, %dma_start3A_62] : memref<10000x128xf32, #tpu.memory_space<hbm>> -> memref<10000x128xf32, #tpu.memory_space<hbm>>
      tpu.enqueue_indirect_dma source(%dma_start3A_63 : memref<10000x128xf32, #tpu.memory_space<hbm>>) target(%arg11 : memref<128x128xf32, #tpu.memory_space<vmem>>) offsets(%arg9 : memref<128xi32, #tpu.memory_space<vmem>>) semaphore(%arg14 : memref<!tpu.dma_semaphore, #tpu.memory_space<semaphore_mem>>)
      %dma_wait3A_64 = arith.constant 0 : i32
      %dma_wait3A_65 = arith.constant 0 : i32
      %dma_wait3A_66 = tpu.memref_slice %arg2[%dma_wait3A_64, %dma_wait3A_65] : memref<10000x128xf32, #tpu.memory_space<hbm>> -> memref<10000x128xf32, #tpu.memory_space<hbm>>
      tpu.wait_indirect_dma semaphore(%arg13 : memref<!tpu.dma_semaphore, #tpu.memory_space<semaphore_mem>>) src(%dma_wait3A_66 : memref<10000x128xf32, #tpu.memory_space<hbm>>) dst(%arg10 : memref<128x128xf32, #tpu.memory_space<vmem>>)
      "tpu.region"() ({
        %run_scoped3A_88 = tpu.sem_alloc : memref<!tpu.dma_semaphore, #tpu.memory_space<semaphore_mem>>
        %dma_start3A_89 = arith.constant 0 : i32
        %dma_start3A_90 = tpu.memref_slice %arg7[%mul3A_48, %dma_start3A_89] : memref<80x128xi32, #tpu.memory_space<vmem>> -> memref<1x128xi32, #tpu.memory_space<vmem>>
        %dma_start3A_91 = tpu.memref_squeeze %dma_start3A_90 : memref<1x128xi32, #tpu.memory_space<vmem>> -> memref<128xi32, #tpu.memory_space<vmem>>
        %dma_start3A_92 = arith.constant 0 : i32
        %dma_start3A_93 = arith.constant 0 : i32
        %dma_start3A_94 = tpu.memref_slice %arg12[%dma_start3A_92, %dma_start3A_93] : memref<10016x128xf32, #tpu.memory_space<vmem_shared>> -> memref<10016x128xf32, #tpu.memory_space<vmem_shared>>
        tpu.enqueue_indirect_dma source(%arg10 : memref<128x128xf32, #tpu.memory_space<vmem>>) target(%dma_start3A_94 : memref<10016x128xf32, #tpu.memory_space<vmem_shared>>) offsets(%dma_start3A_91 : memref<128xi32, #tpu.memory_space<vmem>>) semaphore(%run_scoped3A_88 : memref<!tpu.dma_semaphore, #tpu.memory_space<semaphore_mem>>) {add = true}
        %dma_wait3A_95 = arith.constant 0 : i32
        %dma_wait3A_96 = tpu.memref_slice %arg7[%mul3A_48, %dma_wait3A_95] : memref<80x128xi32, #tpu.memory_space<vmem>> -> memref<1x128xi32, #tpu.memory_space<vmem>>
        %dma_wait3A_97 = tpu.memref_squeeze %dma_wait3A_96 : memref<1x128xi32, #tpu.memory_space<vmem>> -> memref<128xi32, #tpu.memory_space<vmem>>
        %dma_wait3A_98 = arith.constant 0 : i32
        %dma_wait3A_99 = arith.constant 0 : i32
        %dma_wait3A_100 = tpu.memref_slice %arg12[%dma_wait3A_98, %dma_wait3A_99] : memref<10016x128xf32, #tpu.memory_space<vmem_shared>> -> memref<10016x128xf32, #tpu.memory_space<vmem_shared>>
        tpu.wait_indirect_dma semaphore(%run_scoped3A_88 : memref<!tpu.dma_semaphore, #tpu.memory_space<semaphore_mem>>) src(%arg10 : memref<128x128xf32, #tpu.memory_space<vmem>>) dst(%dma_wait3A_100 : memref<10016x128xf32, #tpu.memory_space<vmem_shared>>)
        tpu.yield
      }) : () -> ()
      %add3A_67 = arith.constant 2 : i32
      %add3A_68 = arith.addi %mul3A_48, %add3A_67 : i32
      %min3A = arith.constant 79 : i32
      %min3A_69 = arith.minsi %add3A_68, %min3A : i32
      %mul3A_70 = arith.constant 10240 : i32
      %mul3A_71 = arith.muli %add3A, %mul3A_70 : i32
      %mul3A_72 = arith.constant 128 : i32
      %mul3A_73 = arith.muli %min3A_69, %mul3A_72 : i32
      %add3A_74 = arith.addi %mul3A_71, %mul3A_73 : i32
      %multiple_of3A_75 = tpu.assume_multiple %add3A_74, 128 : i32
      %dma_start3A_76 = tpu.memref_slice %arg3[%multiple_of3A_75] : memref<327680xi32, #tpu.memory_space<hbm>> -> memref<128xi32, #tpu.memory_space<hbm>>
      %dma_start3A_77 = tpu.memref_slice %arg3[%multiple_of3A_75] : memref<327680xi32, #tpu.memory_space<hbm>> -> memref<128xi32, #tpu.memory_space<hbm>>
      tpu.enqueue_dma source(%dma_start3A_77 : memref<128xi32, #tpu.memory_space<hbm>>) target(%arg8 : memref<128xi32, #tpu.memory_space<vmem>>) target_semaphore(%arg15 : memref<!tpu.dma_semaphore, #tpu.memory_space<semaphore_mem>>)
      %dma_wait3A_78 = tpu.memref_slice %arg3[%multiple_of3A_75] : memref<327680xi32, #tpu.memory_space<hbm>> -> memref<128xi32, #tpu.memory_space<hbm>>
      %dma_wait3A_79 = tpu.memref_slice %arg3[%multiple_of3A_75] : memref<327680xi32, #tpu.memory_space<hbm>> -> memref<128xi32, #tpu.memory_space<hbm>>
      tpu.wait_dma2 semaphore(%arg15 : memref<!tpu.dma_semaphore, #tpu.memory_space<semaphore_mem>>) src(%dma_wait3A_79 : memref<128xi32, #tpu.memory_space<hbm>>) dst(%arg8 : memref<128xi32, #tpu.memory_space<vmem>>)
      %dma_start3A_80 = arith.constant 0 : i32
      %dma_start3A_81 = arith.constant 0 : i32
      %dma_start3A_82 = tpu.memref_slice %arg2[%dma_start3A_80, %dma_start3A_81] : memref<10000x128xf32, #tpu.memory_space<hbm>> -> memref<10000x128xf32, #tpu.memory_space<hbm>>
      tpu.enqueue_indirect_dma source(%dma_start3A_82 : memref<10000x128xf32, #tpu.memory_space<hbm>>) target(%arg10 : memref<128x128xf32, #tpu.memory_space<vmem>>) offsets(%arg8 : memref<128xi32, #tpu.memory_space<vmem>>) semaphore(%arg13 : memref<!tpu.dma_semaphore, #tpu.memory_space<semaphore_mem>>)
      %dma_wait3A_83 = arith.constant 0 : i32
      %dma_wait3A_84 = arith.constant 0 : i32
      %dma_wait3A_85 = tpu.memref_slice %arg2[%dma_wait3A_83, %dma_wait3A_84] : memref<10000x128xf32, #tpu.memory_space<hbm>> -> memref<10000x128xf32, #tpu.memory_space<hbm>>
      tpu.wait_indirect_dma semaphore(%arg14 : memref<!tpu.dma_semaphore, #tpu.memory_space<semaphore_mem>>) src(%dma_wait3A_85 : memref<10000x128xf32, #tpu.memory_space<hbm>>) dst(%arg11 : memref<128x128xf32, #tpu.memory_space<vmem>>)
      %add3A_86 = arith.constant 1 : i32
      %add3A_87 = arith.addi %mul3A_48, %add3A_86 : i32
      "tpu.region"() ({
        %run_scoped3A_88 = tpu.sem_alloc : memref<!tpu.dma_semaphore, #tpu.memory_space<semaphore_mem>>
        %dma_start3A_89 = arith.constant 0 : i32
        %dma_start3A_90 = tpu.memref_slice %arg7[%add3A_87, %dma_start3A_89] : memref<80x128xi32, #tpu.memory_space<vmem>> -> memref<1x128xi32, #tpu.memory_space<vmem>>
        %dma_start3A_91 = tpu.memref_squeeze %dma_start3A_90 : memref<1x128xi32, #tpu.memory_space<vmem>> -> memref<128xi32, #tpu.memory_space<vmem>>
        %dma_start3A_92 = arith.constant 0 : i32
        %dma_start3A_93 = arith.constant 0 : i32
        %dma_start3A_94 = tpu.memref_slice %arg12[%dma_start3A_92, %dma_start3A_93] : memref<10016x128xf32, #tpu.memory_space<vmem_shared>> -> memref<10016x128xf32, #tpu.memory_space<vmem_shared>>
        tpu.enqueue_indirect_dma source(%arg11 : memref<128x128xf32, #tpu.memory_space<vmem>>) target(%dma_start3A_94 : memref<10016x128xf32, #tpu.memory_space<vmem_shared>>) offsets(%dma_start3A_91 : memref<128xi32, #tpu.memory_space<vmem>>) semaphore(%run_scoped3A_88 : memref<!tpu.dma_semaphore, #tpu.memory_space<semaphore_mem>>) {add = true}
        %dma_wait3A_95 = arith.constant 0 : i32
        %dma_wait3A_96 = tpu.memref_slice %arg7[%add3A_87, %dma_wait3A_95] : memref<80x128xi32, #tpu.memory_space<vmem>> -> memref<1x128xi32, #tpu.memory_space<vmem>>
        %dma_wait3A_97 = tpu.memref_squeeze %dma_wait3A_96 : memref<1x128xi32, #tpu.memory_space<vmem>> -> memref<128xi32, #tpu.memory_space<vmem>>
        %dma_wait3A_98 = arith.constant 0 : i32
        %dma_wait3A_99 = arith.constant 0 : i32
        %dma_wait3A_100 = tpu.memref_slice %arg12[%dma_wait3A_98, %dma_wait3A_99] : memref<10016x128xf32, #tpu.memory_space<vmem_shared>> -> memref<10016x128xf32, #tpu.memory_space<vmem_shared>>
        tpu.wait_indirect_dma semaphore(%run_scoped3A_88 : memref<!tpu.dma_semaphore, #tpu.memory_space<semaphore_mem>>) src(%arg11 : memref<128x128xf32, #tpu.memory_space<vmem>>) dst(%dma_wait3A_100 : memref<10016x128xf32, #tpu.memory_space<vmem_shared>>)
        tpu.yield
      }) : () -> ()
    }
    %scan3A_19 = arith.constant 39 : i32
    %dma_wait3A_20 = arith.constant 0 : i32
    %dma_wait3A_21 = arith.constant 0 : i32
    %dma_wait3A_22 = tpu.memref_slice %arg2[%dma_wait3A_20, %dma_wait3A_21] : memref<10000x128xf32, #tpu.memory_space<hbm>> -> memref<10000x128xf32, #tpu.memory_space<hbm>>
    tpu.wait_indirect_dma semaphore(%arg13 : memref<!tpu.dma_semaphore, #tpu.memory_space<semaphore_mem>>) src(%dma_wait3A_22 : memref<10000x128xf32, #tpu.memory_space<hbm>>) dst(%arg10 : memref<128x128xf32, #tpu.memory_space<vmem>>)
    %run_scoped3A_23 = arith.constant 78 : i32
    "tpu.region"() ({
      %run_scoped3A_46 = tpu.sem_alloc : memref<!tpu.dma_semaphore, #tpu.memory_space<semaphore_mem>>
      %dma_start3A_47 = arith.constant 0 : i32
      %dma_start3A_48 = tpu.memref_slice %arg7[%run_scoped3A_23, %dma_start3A_47] : memref<80x128xi32, #tpu.memory_space<vmem>> -> memref<1x128xi32, #tpu.memory_space<vmem>>
      %dma_start3A_49 = tpu.memref_squeeze %dma_start3A_48 : memref<1x128xi32, #tpu.memory_space<vmem>> -> memref<128xi32, #tpu.memory_space<vmem>>
      %dma_start3A_50 = arith.constant 0 : i32
      %dma_start3A_51 = arith.constant 0 : i32
      %dma_start3A_52 = tpu.memref_slice %arg12[%dma_start3A_50, %dma_start3A_51] : memref<10016x128xf32, #tpu.memory_space<vmem_shared>> -> memref<10016x128xf32, #tpu.memory_space<vmem_shared>>
      tpu.enqueue_indirect_dma source(%arg10 : memref<128x128xf32, #tpu.memory_space<vmem>>) target(%dma_start3A_52 : memref<10016x128xf32, #tpu.memory_space<vmem_shared>>) offsets(%dma_start3A_49 : memref<128xi32, #tpu.memory_space<vmem>>) semaphore(%run_scoped3A_46 : memref<!tpu.dma_semaphore, #tpu.memory_space<semaphore_mem>>) {add = true}
      %dma_wait3A_53 = arith.constant 0 : i32
      %dma_wait3A_54 = tpu.memref_slice %arg7[%run_scoped3A_23, %dma_wait3A_53] : memref<80x128xi32, #tpu.memory_space<vmem>> -> memref<1x128xi32, #tpu.memory_space<vmem>>
      %dma_wait3A_55 = tpu.memref_squeeze %dma_wait3A_54 : memref<1x128xi32, #tpu.memory_space<vmem>> -> memref<128xi32, #tpu.memory_space<vmem>>
      %dma_wait3A_56 = arith.constant 0 : i32
      %dma_wait3A_57 = arith.constant 0 : i32
      %dma_wait3A_58 = tpu.memref_slice %arg12[%dma_wait3A_56, %dma_wait3A_57] : memref<10016x128xf32, #tpu.memory_space<vmem_shared>> -> memref<10016x128xf32, #tpu.memory_space<vmem_shared>>
      tpu.wait_indirect_dma semaphore(%run_scoped3A_46 : memref<!tpu.dma_semaphore, #tpu.memory_space<semaphore_mem>>) src(%arg10 : memref<128x128xf32, #tpu.memory_space<vmem>>) dst(%dma_wait3A_58 : memref<10016x128xf32, #tpu.memory_space<vmem_shared>>)
      tpu.yield
    }) : () -> ()
    %mul3A_24 = arith.constant 10240 : i32
    %mul3A_25 = arith.muli %add3A, %mul3A_24 : i32
    %add3A_26 = arith.constant 10112 : i32
    %add3A_27 = arith.addi %mul3A_25, %add3A_26 : i32
    %multiple_of3A_28 = tpu.assume_multiple %add3A_27, 128 : i32
    %dma_start3A_29 = tpu.memref_slice %arg3[%multiple_of3A_28] : memref<327680xi32, #tpu.memory_space<hbm>> -> memref<128xi32, #tpu.memory_space<hbm>>
    %dma_start3A_30 = tpu.memref_slice %arg3[%multiple_of3A_28] : memref<327680xi32, #tpu.memory_space<hbm>> -> memref<128xi32, #tpu.memory_space<hbm>>
    tpu.enqueue_dma source(%dma_start3A_30 : memref<128xi32, #tpu.memory_space<hbm>>) target(%arg9 : memref<128xi32, #tpu.memory_space<vmem>>) target_semaphore(%arg15 : memref<!tpu.dma_semaphore, #tpu.memory_space<semaphore_mem>>)
    %dma_wait3A_31 = tpu.memref_slice %arg3[%multiple_of3A_28] : memref<327680xi32, #tpu.memory_space<hbm>> -> memref<128xi32, #tpu.memory_space<hbm>>
    %dma_wait3A_32 = tpu.memref_slice %arg3[%multiple_of3A_28] : memref<327680xi32, #tpu.memory_space<hbm>> -> memref<128xi32, #tpu.memory_space<hbm>>
    tpu.wait_dma2 semaphore(%arg15 : memref<!tpu.dma_semaphore, #tpu.memory_space<semaphore_mem>>) src(%dma_wait3A_32 : memref<128xi32, #tpu.memory_space<hbm>>) dst(%arg9 : memref<128xi32, #tpu.memory_space<vmem>>)
    %dma_start3A_33 = arith.constant 0 : i32
    %dma_start3A_34 = arith.constant 0 : i32
    %dma_start3A_35 = tpu.memref_slice %arg2[%dma_start3A_33, %dma_start3A_34] : memref<10000x128xf32, #tpu.memory_space<hbm>> -> memref<10000x128xf32, #tpu.memory_space<hbm>>
    tpu.enqueue_indirect_dma source(%dma_start3A_35 : memref<10000x128xf32, #tpu.memory_space<hbm>>) target(%arg11 : memref<128x128xf32, #tpu.memory_space<vmem>>) offsets(%arg9 : memref<128xi32, #tpu.memory_space<vmem>>) semaphore(%arg14 : memref<!tpu.dma_semaphore, #tpu.memory_space<semaphore_mem>>)
    %dma_wait3A_36 = arith.constant 0 : i32
    %dma_wait3A_37 = arith.constant 0 : i32
    %dma_wait3A_38 = tpu.memref_slice %arg2[%dma_wait3A_36, %dma_wait3A_37] : memref<10000x128xf32, #tpu.memory_space<hbm>> -> memref<10000x128xf32, #tpu.memory_space<hbm>>
    tpu.wait_indirect_dma semaphore(%arg14 : memref<!tpu.dma_semaphore, #tpu.memory_space<semaphore_mem>>) src(%dma_wait3A_38 : memref<10000x128xf32, #tpu.memory_space<hbm>>) dst(%arg11 : memref<128x128xf32, #tpu.memory_space<vmem>>)
    %run_scoped3A_39 = arith.constant 79 : i32
    "tpu.region"() ({
      %run_scoped3A_46 = tpu.sem_alloc : memref<!tpu.dma_semaphore, #tpu.memory_space<semaphore_mem>>
      %dma_start3A_47 = arith.constant 0 : i32
      %dma_start3A_48 = tpu.memref_slice %arg7[%run_scoped3A_39, %dma_start3A_47] : memref<80x128xi32, #tpu.memory_space<vmem>> -> memref<1x128xi32, #tpu.memory_space<vmem>>
      %dma_start3A_49 = tpu.memref_squeeze %dma_start3A_48 : memref<1x128xi32, #tpu.memory_space<vmem>> -> memref<128xi32, #tpu.memory_space<vmem>>
      %dma_start3A_50 = arith.constant 0 : i32
      %dma_start3A_51 = arith.constant 0 : i32
      %dma_start3A_52 = tpu.memref_slice %arg12[%dma_start3A_50, %dma_start3A_51] : memref<10016x128xf32, #tpu.memory_space<vmem_shared>> -> memref<10016x128xf32, #tpu.memory_space<vmem_shared>>
      tpu.enqueue_indirect_dma source(%arg11 : memref<128x128xf32, #tpu.memory_space<vmem>>) target(%dma_start3A_52 : memref<10016x128xf32, #tpu.memory_space<vmem_shared>>) offsets(%dma_start3A_49 : memref<128xi32, #tpu.memory_space<vmem>>) semaphore(%run_scoped3A_46 : memref<!tpu.dma_semaphore, #tpu.memory_space<semaphore_mem>>) {add = true}
      %dma_wait3A_53 = arith.constant 0 : i32
      %dma_wait3A_54 = tpu.memref_slice %arg7[%run_scoped3A_39, %dma_wait3A_53] : memref<80x128xi32, #tpu.memory_space<vmem>> -> memref<1x128xi32, #tpu.memory_space<vmem>>
      %dma_wait3A_55 = tpu.memref_squeeze %dma_wait3A_54 : memref<1x128xi32, #tpu.memory_space<vmem>> -> memref<128xi32, #tpu.memory_space<vmem>>
      %dma_wait3A_56 = arith.constant 0 : i32
      %dma_wait3A_57 = arith.constant 0 : i32
      %dma_wait3A_58 = tpu.memref_slice %arg12[%dma_wait3A_56, %dma_wait3A_57] : memref<10016x128xf32, #tpu.memory_space<vmem_shared>> -> memref<10016x128xf32, #tpu.memory_space<vmem_shared>>
      tpu.wait_indirect_dma semaphore(%run_scoped3A_46 : memref<!tpu.dma_semaphore, #tpu.memory_space<semaphore_mem>>) src(%arg11 : memref<128x128xf32, #tpu.memory_space<vmem>>) dst(%dma_wait3A_58 : memref<10016x128xf32, #tpu.memory_space<vmem_shared>>)
      tpu.yield
    }) : () -> ()
    %barrier3A_40 = arith.constant 0 : index
    tpu.barrier barrier_id(%barrier3A_40)
    "tpu.region"() ({
      %run_scoped3A_46 = tpu.sem_alloc : memref<!tpu.dma_semaphore, #tpu.memory_space<semaphore_mem>>
      %dma_start3A_47 = arith.constant 0 : i32
      %dma_start3A_48 = tpu.memref_slice %arg6[%arg0, %multiple_of3A, %dma_start3A_47] : memref<2x10000x128xf32, #tpu.memory_space<hbm>> -> memref<1x624x128xf32, #tpu.memory_space<hbm>>
      %dma_start3A_49 = tpu.memref_squeeze %dma_start3A_48 : memref<1x624x128xf32, #tpu.memory_space<hbm>> -> memref<624x128xf32, #tpu.memory_space<hbm>>
      %dma_start3A_50 = arith.constant 0 : i32
      %dma_start3A_51 = tpu.memref_slice %arg12[%multiple_of3A, %dma_start3A_50] : memref<10016x128xf32, #tpu.memory_space<vmem_shared>> -> memref<624x128xf32, #tpu.memory_space<vmem_shared>>
      tpu.enqueue_dma source(%dma_start3A_51 : memref<624x128xf32, #tpu.memory_space<vmem_shared>>) target(%dma_start3A_49 : memref<624x128xf32, #tpu.memory_space<hbm>>) target_semaphore(%run_scoped3A_46 : memref<!tpu.dma_semaphore, #tpu.memory_space<semaphore_mem>>)
      %dma_wait3A_52 = arith.constant 0 : i32
      %dma_wait3A_53 = tpu.memref_slice %arg6[%arg0, %multiple_of3A, %dma_wait3A_52] : memref<2x10000x128xf32, #tpu.memory_space<hbm>> -> memref<1x624x128xf32, #tpu.memory_space<hbm>>
      %dma_wait3A_54 = tpu.memref_squeeze %dma_wait3A_53 : memref<1x624x128xf32, #tpu.memory_space<hbm>> -> memref<624x128xf32, #tpu.memory_space<hbm>>
      %dma_wait3A_55 = arith.constant 0 : i32
      %dma_wait3A_56 = tpu.memref_slice %arg12[%multiple_of3A, %dma_wait3A_55] : memref<10016x128xf32, #tpu.memory_space<vmem_shared>> -> memref<624x128xf32, #tpu.memory_space<vmem_shared>>
      tpu.wait_dma2 semaphore(%run_scoped3A_46 : memref<!tpu.dma_semaphore, #tpu.memory_space<semaphore_mem>>) src(%dma_wait3A_56 : memref<624x128xf32, #tpu.memory_space<vmem_shared>>) dst(%dma_wait3A_54 : memref<624x128xf32, #tpu.memory_space<hbm>>)
      tpu.yield
    }) : () -> ()
    %eq3A_41 = arith.constant 0 : i32
    %eq3A_42 = arith.cmpi eq, %arg1, %eq3A_41 : i32
    %convert_element_type3A_43 = arith.extui %eq3A_42 : i1 to i32
    %cond3A_44 = arith.constant 0 : i32
    %cond3A_45 = arith.cmpi ne, %convert_element_type3A_43, %cond3A_44 : i32
    scf.if %cond3A_45 {
      "tpu.region"() ({
        %run_scoped3A_46 = tpu.sem_alloc : memref<!tpu.dma_semaphore, #tpu.memory_space<semaphore_mem>>
        %dma_start3A_47 = arith.constant 9984 : i32
        %dma_start3A_48 = arith.constant 0 : i32
        %dma_start3A_49 = tpu.memref_slice %arg6[%arg0, %dma_start3A_47, %dma_start3A_48] : memref<2x10000x128xf32, #tpu.memory_space<hbm>> -> memref<1x16x128xf32, #tpu.memory_space<hbm>>
        %dma_start3A_50 = tpu.memref_squeeze %dma_start3A_49 : memref<1x16x128xf32, #tpu.memory_space<hbm>> -> memref<16x128xf32, #tpu.memory_space<hbm>>
        %dma_start3A_51 = arith.constant 9984 : i32
        %dma_start3A_52 = arith.constant 0 : i32
        %dma_start3A_53 = tpu.memref_slice %arg12[%dma_start3A_51, %dma_start3A_52] : memref<10016x128xf32, #tpu.memory_space<vmem_shared>> -> memref<16x128xf32, #tpu.memory_space<vmem_shared>>
        tpu.enqueue_dma source(%dma_start3A_53 : memref<16x128xf32, #tpu.memory_space<vmem_shared>>) target(%dma_start3A_50 : memref<16x128xf32, #tpu.memory_space<hbm>>) target_semaphore(%run_scoped3A_46 : memref<!tpu.dma_semaphore, #tpu.memory_space<semaphore_mem>>)
        %dma_wait3A_54 = arith.constant 9984 : i32
        %dma_wait3A_55 = arith.constant 0 : i32
        %dma_wait3A_56 = tpu.memref_slice %arg6[%arg0, %dma_wait3A_54, %dma_wait3A_55] : memref<2x10000x128xf32, #tpu.memory_space<hbm>> -> memref<1x16x128xf32, #tpu.memory_space<hbm>>
        %dma_wait3A_57 = tpu.memref_squeeze %dma_wait3A_56 : memref<1x16x128xf32, #tpu.memory_space<hbm>> -> memref<16x128xf32, #tpu.memory_space<hbm>>
        %dma_wait3A_58 = arith.constant 9984 : i32
        %dma_wait3A_59 = arith.constant 0 : i32
        %dma_wait3A_60 = tpu.memref_slice %arg12[%dma_wait3A_58, %dma_wait3A_59] : memref<10016x128xf32, #tpu.memory_space<vmem_shared>> -> memref<16x128xf32, #tpu.memory_space<vmem_shared>>
        tpu.wait_dma2 semaphore(%run_scoped3A_46 : memref<!tpu.dma_semaphore, #tpu.memory_space<semaphore_mem>>) src(%dma_wait3A_60 : memref<16x128xf32, #tpu.memory_space<vmem_shared>>) dst(%dma_wait3A_57 : memref<16x128xf32, #tpu.memory_space<hbm>>)
        tpu.yield
      }) : () -> ()
    } else {
    }
    return
  }
}

#map = affine_map<(d0, d1) -> (0, 0, 0, 0)>
#map1 = affine_map<(d0, d1) -> (0, 0)>
#map2 = affine_map<(d0, d1) -> (0, 0, 0)>
module attributes {stable_mosaic.version = 14 : i64} {
  func.func @sc_sage_counts(%arg0: i32, %arg1: i32, %arg2: memref<2x32x80x128xi32, #tpu.memory_space<hbm>>, %arg3: memref<624x128xf32, #tpu.memory_space<hbm>>, %arg4: memref<128x128xf32, #tpu.memory_space<hbm>>, %arg5: memref<2x10000x128xf32, #tpu.memory_space<hbm>>, %arg6: memref<80x128xi32, #tpu.memory_space<vmem>>, %arg7: memref<128x128xf32, #tpu.memory_space<vmem>>, %arg8: memref<10016x128xf32, #tpu.memory_space<vmem_shared>>, %arg9: memref<!tpu.dma_semaphore, #tpu.memory_space<semaphore_mem>>) attributes {dimension_semantics = [#tpu.dimension_semantics<core_parallel>, #tpu.dimension_semantics<subcore_parallel>], iteration_bounds = array<i64: 2, 16>, scalar_prefetch = 0 : i64, scratch_operands = 4 : i64, tpu.core_type = #tpu.core_type<sc_vector_subcore>, window_params = [{transform_indices = #map}, {transform_indices = #map1}, {transform_indices = #map1}, {transform_indices = #map2}]} {
    %mul3A = arith.constant 2 : i32
    %mul3A_0 = arith.muli %arg1, %mul3A : i32
    %add3A = arith.addi %mul3A_0, %arg0 : i32
    %run_scoped3A = arith.constant 1 : i32
    "tpu.region"() ({
      %run_scoped3A_22 = tpu.sem_alloc : memref<!tpu.dma_semaphore, #tpu.memory_space<semaphore_mem>>
      %dma_start3A = arith.constant 0 : i32
      %dma_start3A_23 = arith.constant 0 : i32
      %dma_start3A_24 = tpu.memref_slice %arg2[%run_scoped3A, %add3A, %dma_start3A, %dma_start3A_23] : memref<2x32x80x128xi32, #tpu.memory_space<hbm>> -> memref<1x1x80x128xi32, #tpu.memory_space<hbm>>
      %dma_start3A_25 = tpu.memref_squeeze %dma_start3A_24 : memref<1x1x80x128xi32, #tpu.memory_space<hbm>> -> memref<80x128xi32, #tpu.memory_space<hbm>>
      %dma_start3A_26 = arith.constant 0 : i32
      %dma_start3A_27 = arith.constant 0 : i32
      %dma_start3A_28 = tpu.memref_slice %arg2[%run_scoped3A, %add3A, %dma_start3A_26, %dma_start3A_27] : memref<2x32x80x128xi32, #tpu.memory_space<hbm>> -> memref<1x1x80x128xi32, #tpu.memory_space<hbm>>
      %dma_start3A_29 = tpu.memref_squeeze %dma_start3A_28 : memref<1x1x80x128xi32, #tpu.memory_space<hbm>> -> memref<80x128xi32, #tpu.memory_space<hbm>>
      tpu.enqueue_dma source(%dma_start3A_29 : memref<80x128xi32, #tpu.memory_space<hbm>>) target(%arg6 : memref<80x128xi32, #tpu.memory_space<vmem>>) target_semaphore(%run_scoped3A_22 : memref<!tpu.dma_semaphore, #tpu.memory_space<semaphore_mem>>)
      %dma_wait3A = arith.constant 0 : i32
      %dma_wait3A_30 = arith.constant 0 : i32
      %dma_wait3A_31 = tpu.memref_slice %arg2[%run_scoped3A, %add3A, %dma_wait3A, %dma_wait3A_30] : memref<2x32x80x128xi32, #tpu.memory_space<hbm>> -> memref<1x1x80x128xi32, #tpu.memory_space<hbm>>
      %dma_wait3A_32 = tpu.memref_squeeze %dma_wait3A_31 : memref<1x1x80x128xi32, #tpu.memory_space<hbm>> -> memref<80x128xi32, #tpu.memory_space<hbm>>
      %dma_wait3A_33 = arith.constant 0 : i32
      %dma_wait3A_34 = arith.constant 0 : i32
      %dma_wait3A_35 = tpu.memref_slice %arg2[%run_scoped3A, %add3A, %dma_wait3A_33, %dma_wait3A_34] : memref<2x32x80x128xi32, #tpu.memory_space<hbm>> -> memref<1x1x80x128xi32, #tpu.memory_space<hbm>>
      %dma_wait3A_36 = tpu.memref_squeeze %dma_wait3A_35 : memref<1x1x80x128xi32, #tpu.memory_space<hbm>> -> memref<80x128xi32, #tpu.memory_space<hbm>>
      tpu.wait_dma2 semaphore(%run_scoped3A_22 : memref<!tpu.dma_semaphore, #tpu.memory_space<semaphore_mem>>) src(%dma_wait3A_36 : memref<80x128xi32, #tpu.memory_space<hbm>>) dst(%arg6 : memref<80x128xi32, #tpu.memory_space<vmem>>)
      tpu.yield
    }) : () -> ()
    "tpu.region"() ({
      %run_scoped3A_22 = tpu.sem_alloc : memref<!tpu.dma_semaphore, #tpu.memory_space<semaphore_mem>>
      tpu.enqueue_dma source(%arg4 : memref<128x128xf32, #tpu.memory_space<hbm>>) target(%arg7 : memref<128x128xf32, #tpu.memory_space<vmem>>) target_semaphore(%run_scoped3A_22 : memref<!tpu.dma_semaphore, #tpu.memory_space<semaphore_mem>>)
      tpu.wait_dma2 semaphore(%run_scoped3A_22 : memref<!tpu.dma_semaphore, #tpu.memory_space<semaphore_mem>>) src(%arg4 : memref<128x128xf32, #tpu.memory_space<hbm>>) dst(%arg7 : memref<128x128xf32, #tpu.memory_space<vmem>>)
      tpu.yield
    }) : () -> ()
    %mul3A_1 = arith.constant 624 : i32
    %mul3A_2 = arith.muli %arg1, %mul3A_1 : i32
    %multiple_of3A = tpu.assume_multiple %mul3A_2, 8 : i32
    "tpu.region"() ({
      %run_scoped3A_22 = tpu.sem_alloc : memref<!tpu.dma_semaphore, #tpu.memory_space<semaphore_mem>>
      %dma_start3A = arith.constant 0 : i32
      %dma_start3A_23 = tpu.memref_slice %arg8[%multiple_of3A, %dma_start3A] : memref<10016x128xf32, #tpu.memory_space<vmem_shared>> -> memref<624x128xf32, #tpu.memory_space<vmem_shared>>
      tpu.enqueue_dma source(%arg3 : memref<624x128xf32, #tpu.memory_space<hbm>>) target(%dma_start3A_23 : memref<624x128xf32, #tpu.memory_space<vmem_shared>>) target_semaphore(%run_scoped3A_22 : memref<!tpu.dma_semaphore, #tpu.memory_space<semaphore_mem>>)
      %dma_wait3A = arith.constant 0 : i32
      %dma_wait3A_24 = tpu.memref_slice %arg8[%multiple_of3A, %dma_wait3A] : memref<10016x128xf32, #tpu.memory_space<vmem_shared>> -> memref<624x128xf32, #tpu.memory_space<vmem_shared>>
      tpu.wait_dma2 semaphore(%run_scoped3A_22 : memref<!tpu.dma_semaphore, #tpu.memory_space<semaphore_mem>>) src(%arg3 : memref<624x128xf32, #tpu.memory_space<hbm>>) dst(%dma_wait3A_24 : memref<624x128xf32, #tpu.memory_space<vmem_shared>>)
      tpu.yield
    }) : () -> ()
    %eq3A = arith.constant 0 : i32
    %eq3A_3 = arith.cmpi eq, %arg1, %eq3A : i32
    %convert_element_type3A = arith.extui %eq3A_3 : i1 to i32
    %cond3A = arith.constant 0 : i32
    %cond3A_4 = arith.cmpi ne, %convert_element_type3A, %cond3A : i32
    scf.if %cond3A_4 {
      "tpu.region"() ({
        %run_scoped3A_22 = tpu.sem_alloc : memref<!tpu.dma_semaphore, #tpu.memory_space<semaphore_mem>>
        %dma_start3A = arith.constant 9984 : i32
        %dma_start3A_23 = arith.constant 0 : i32
        %dma_start3A_24 = tpu.memref_slice %arg8[%dma_start3A, %dma_start3A_23] : memref<10016x128xf32, #tpu.memory_space<vmem_shared>> -> memref<16x128xf32, #tpu.memory_space<vmem_shared>>
        %dma_start3A_25 = arith.constant 0 : i32
        %dma_start3A_26 = arith.constant 0 : i32
        %dma_start3A_27 = tpu.memref_slice %arg3[%dma_start3A_25, %dma_start3A_26] : memref<624x128xf32, #tpu.memory_space<hbm>> -> memref<16x128xf32, #tpu.memory_space<hbm>>
        tpu.enqueue_dma source(%dma_start3A_27 : memref<16x128xf32, #tpu.memory_space<hbm>>) target(%dma_start3A_24 : memref<16x128xf32, #tpu.memory_space<vmem_shared>>) target_semaphore(%run_scoped3A_22 : memref<!tpu.dma_semaphore, #tpu.memory_space<semaphore_mem>>)
        %dma_wait3A = arith.constant 9984 : i32
        %dma_wait3A_28 = arith.constant 0 : i32
        %dma_wait3A_29 = tpu.memref_slice %arg8[%dma_wait3A, %dma_wait3A_28] : memref<10016x128xf32, #tpu.memory_space<vmem_shared>> -> memref<16x128xf32, #tpu.memory_space<vmem_shared>>
        %dma_wait3A_30 = arith.constant 0 : i32
        %dma_wait3A_31 = arith.constant 0 : i32
        %dma_wait3A_32 = tpu.memref_slice %arg3[%dma_wait3A_30, %dma_wait3A_31] : memref<624x128xf32, #tpu.memory_space<hbm>> -> memref<16x128xf32, #tpu.memory_space<hbm>>
        tpu.wait_dma2 semaphore(%run_scoped3A_22 : memref<!tpu.dma_semaphore, #tpu.memory_space<semaphore_mem>>) src(%dma_wait3A_32 : memref<16x128xf32, #tpu.memory_space<hbm>>) dst(%dma_wait3A_29 : memref<16x128xf32, #tpu.memory_space<vmem_shared>>)
        tpu.yield
      }) : () -> ()
    } else {
    }
    %barrier3A = arith.constant 0 : index
    tpu.barrier barrier_id(%barrier3A)
    %scan3A = arith.constant 0 : i32
    %scan3A_5 = arith.constant 0 : i32
    %scan3A_6 = arith.constant 80 : i32
    %scan3A_7 = arith.addi %scan3A_5, %scan3A_6 : i32
    %scan3A_8 = arith.constant 1 : i32
    scf.for %scan3A_22 = %scan3A_5 to %scan3A_7 step %scan3A_8  : i32 {
      %dma_start3A = arith.constant 0 : i32
      %dma_start3A_23 = tpu.memref_slice %arg6[%scan3A_22, %dma_start3A] : memref<80x128xi32, #tpu.memory_space<vmem>> -> memref<1x128xi32, #tpu.memory_space<vmem>>
      %dma_start3A_24 = tpu.memref_squeeze %dma_start3A_23 : memref<1x128xi32, #tpu.memory_space<vmem>> -> memref<128xi32, #tpu.memory_space<vmem>>
      %dma_start3A_25 = arith.constant 0 : i32
      %dma_start3A_26 = arith.constant 0 : i32
      %dma_start3A_27 = tpu.memref_slice %arg8[%dma_start3A_25, %dma_start3A_26] : memref<10016x128xf32, #tpu.memory_space<vmem_shared>> -> memref<10016x128xf32, #tpu.memory_space<vmem_shared>>
      tpu.enqueue_indirect_dma source(%arg7 : memref<128x128xf32, #tpu.memory_space<vmem>>) target(%dma_start3A_27 : memref<10016x128xf32, #tpu.memory_space<vmem_shared>>) offsets(%dma_start3A_24 : memref<128xi32, #tpu.memory_space<vmem>>) semaphore(%arg9 : memref<!tpu.dma_semaphore, #tpu.memory_space<semaphore_mem>>) {add = true}
    }
    %scan3A_9 = arith.constant 80 : i32
    %scan3A_10 = arith.constant 0 : i32
    %scan3A_11 = arith.constant 0 : i32
    %scan3A_12 = arith.constant 80 : i32
    %scan3A_13 = arith.addi %scan3A_11, %scan3A_12 : i32
    %scan3A_14 = arith.constant 1 : i32
    scf.for %scan3A_22 = %scan3A_11 to %scan3A_13 step %scan3A_14  : i32 {
      %dma_wait3A = arith.constant 0 : i32
      %dma_wait3A_23 = arith.constant 0 : i32
      %dma_wait3A_24 = tpu.memref_slice %arg6[%dma_wait3A, %dma_wait3A_23] : memref<80x128xi32, #tpu.memory_space<vmem>> -> memref<1x128xi32, #tpu.memory_space<vmem>>
      %dma_wait3A_25 = tpu.memref_squeeze %dma_wait3A_24 : memref<1x128xi32, #tpu.memory_space<vmem>> -> memref<128xi32, #tpu.memory_space<vmem>>
      %dma_wait3A_26 = arith.constant 0 : i32
      %dma_wait3A_27 = arith.constant 0 : i32
      %dma_wait3A_28 = tpu.memref_slice %arg8[%dma_wait3A_26, %dma_wait3A_27] : memref<10016x128xf32, #tpu.memory_space<vmem_shared>> -> memref<10016x128xf32, #tpu.memory_space<vmem_shared>>
      tpu.wait_indirect_dma semaphore(%arg9 : memref<!tpu.dma_semaphore, #tpu.memory_space<semaphore_mem>>) src(%arg7 : memref<128x128xf32, #tpu.memory_space<vmem>>) dst(%dma_wait3A_28 : memref<10016x128xf32, #tpu.memory_space<vmem_shared>>)
    }
    %scan3A_15 = arith.constant 80 : i32
    %barrier3A_16 = arith.constant 0 : index
    tpu.barrier barrier_id(%barrier3A_16)
    "tpu.region"() ({
      %run_scoped3A_22 = tpu.sem_alloc : memref<!tpu.dma_semaphore, #tpu.memory_space<semaphore_mem>>
      %dma_start3A = arith.constant 0 : i32
      %dma_start3A_23 = tpu.memref_slice %arg5[%arg0, %multiple_of3A, %dma_start3A] : memref<2x10000x128xf32, #tpu.memory_space<hbm>> -> memref<1x624x128xf32, #tpu.memory_space<hbm>>
      %dma_start3A_24 = tpu.memref_squeeze %dma_start3A_23 : memref<1x624x128xf32, #tpu.memory_space<hbm>> -> memref<624x128xf32, #tpu.memory_space<hbm>>
      %dma_start3A_25 = arith.constant 0 : i32
      %dma_start3A_26 = tpu.memref_slice %arg8[%multiple_of3A, %dma_start3A_25] : memref<10016x128xf32, #tpu.memory_space<vmem_shared>> -> memref<624x128xf32, #tpu.memory_space<vmem_shared>>
      tpu.enqueue_dma source(%dma_start3A_26 : memref<624x128xf32, #tpu.memory_space<vmem_shared>>) target(%dma_start3A_24 : memref<624x128xf32, #tpu.memory_space<hbm>>) target_semaphore(%run_scoped3A_22 : memref<!tpu.dma_semaphore, #tpu.memory_space<semaphore_mem>>)
      %dma_wait3A = arith.constant 0 : i32
      %dma_wait3A_27 = tpu.memref_slice %arg5[%arg0, %multiple_of3A, %dma_wait3A] : memref<2x10000x128xf32, #tpu.memory_space<hbm>> -> memref<1x624x128xf32, #tpu.memory_space<hbm>>
      %dma_wait3A_28 = tpu.memref_squeeze %dma_wait3A_27 : memref<1x624x128xf32, #tpu.memory_space<hbm>> -> memref<624x128xf32, #tpu.memory_space<hbm>>
      %dma_wait3A_29 = arith.constant 0 : i32
      %dma_wait3A_30 = tpu.memref_slice %arg8[%multiple_of3A, %dma_wait3A_29] : memref<10016x128xf32, #tpu.memory_space<vmem_shared>> -> memref<624x128xf32, #tpu.memory_space<vmem_shared>>
      tpu.wait_dma2 semaphore(%run_scoped3A_22 : memref<!tpu.dma_semaphore, #tpu.memory_space<semaphore_mem>>) src(%dma_wait3A_30 : memref<624x128xf32, #tpu.memory_space<vmem_shared>>) dst(%dma_wait3A_28 : memref<624x128xf32, #tpu.memory_space<hbm>>)
      tpu.yield
    }) : () -> ()
    %eq3A_17 = arith.constant 0 : i32
    %eq3A_18 = arith.cmpi eq, %arg1, %eq3A_17 : i32
    %convert_element_type3A_19 = arith.extui %eq3A_18 : i1 to i32
    %cond3A_20 = arith.constant 0 : i32
    %cond3A_21 = arith.cmpi ne, %convert_element_type3A_19, %cond3A_20 : i32
    scf.if %cond3A_21 {
      "tpu.region"() ({
        %run_scoped3A_22 = tpu.sem_alloc : memref<!tpu.dma_semaphore, #tpu.memory_space<semaphore_mem>>
        %dma_start3A = arith.constant 9984 : i32
        %dma_start3A_23 = arith.constant 0 : i32
        %dma_start3A_24 = tpu.memref_slice %arg5[%arg0, %dma_start3A, %dma_start3A_23] : memref<2x10000x128xf32, #tpu.memory_space<hbm>> -> memref<1x16x128xf32, #tpu.memory_space<hbm>>
        %dma_start3A_25 = tpu.memref_squeeze %dma_start3A_24 : memref<1x16x128xf32, #tpu.memory_space<hbm>> -> memref<16x128xf32, #tpu.memory_space<hbm>>
        %dma_start3A_26 = arith.constant 9984 : i32
        %dma_start3A_27 = arith.constant 0 : i32
        %dma_start3A_28 = tpu.memref_slice %arg8[%dma_start3A_26, %dma_start3A_27] : memref<10016x128xf32, #tpu.memory_space<vmem_shared>> -> memref<16x128xf32, #tpu.memory_space<vmem_shared>>
        tpu.enqueue_dma source(%dma_start3A_28 : memref<16x128xf32, #tpu.memory_space<vmem_shared>>) target(%dma_start3A_25 : memref<16x128xf32, #tpu.memory_space<hbm>>) target_semaphore(%run_scoped3A_22 : memref<!tpu.dma_semaphore, #tpu.memory_space<semaphore_mem>>)
        %dma_wait3A = arith.constant 9984 : i32
        %dma_wait3A_29 = arith.constant 0 : i32
        %dma_wait3A_30 = tpu.memref_slice %arg5[%arg0, %dma_wait3A, %dma_wait3A_29] : memref<2x10000x128xf32, #tpu.memory_space<hbm>> -> memref<1x16x128xf32, #tpu.memory_space<hbm>>
        %dma_wait3A_31 = tpu.memref_squeeze %dma_wait3A_30 : memref<1x16x128xf32, #tpu.memory_space<hbm>> -> memref<16x128xf32, #tpu.memory_space<hbm>>
        %dma_wait3A_32 = arith.constant 9984 : i32
        %dma_wait3A_33 = arith.constant 0 : i32
        %dma_wait3A_34 = tpu.memref_slice %arg8[%dma_wait3A_32, %dma_wait3A_33] : memref<10016x128xf32, #tpu.memory_space<vmem_shared>> -> memref<16x128xf32, #tpu.memory_space<vmem_shared>>
        tpu.wait_dma2 semaphore(%run_scoped3A_22 : memref<!tpu.dma_semaphore, #tpu.memory_space<semaphore_mem>>) src(%dma_wait3A_34 : memref<16x128xf32, #tpu.memory_space<vmem_shared>>) dst(%dma_wait3A_31 : memref<16x128xf32, #tpu.memory_space<hbm>>)
        tpu.yield
      }) : () -> ()
    } else {
    }
    return
  }
}

module attributes {stable_mosaic.version = 14 : i64} {
  func.func @_tc_pre_body(%arg0: i32, %arg1: memref<1000x128xf32, #tpu.memory_space<vmem>>, %arg2: memref<128x128xf32, #tpu.memory_space<vmem>>, %arg3: memref<128x128xf32, #tpu.memory_space<vmem>>, %arg4: memref<1x128xf32, #tpu.memory_space<vmem>>, %arg5: memref<1000x128xf32, #tpu.memory_space<vmem>>, %arg6: memref<1000x128xf32, #tpu.memory_space<vmem>>) attributes {dimension_semantics = [#tpu.dimension_semantics<arbitrary>], iteration_bounds = array<i64: 10>, scalar_prefetch = 0 : i64, scratch_operands = 0 : i64, tpu.core_type = #tpu.core_type<tc>, window_params = [{transform_indices = @transform_0, window_bounds = array<i64: 1000, 128>}, {pipeline_mode = #tpu.pipeline_mode<synchronous>, transform_indices = @transform_1, window_bounds = array<i64: 128, 128>}, {pipeline_mode = #tpu.pipeline_mode<synchronous>, transform_indices = @transform_2, window_bounds = array<i64: 128, 128>}, {pipeline_mode = #tpu.pipeline_mode<synchronous>, transform_indices = @transform_3, window_bounds = array<i64: 1, 128>}, {transform_indices = @transform_4, window_bounds = array<i64: 1000, 128>}, {transform_indices = @transform_5, window_bounds = array<i64: 1000, 128>}]} {
    %get3A = arith.constant 0 : index
    %get3A_0 = arith.constant 0 : index
    %get3A_1 = vector.load %arg1[%get3A, %get3A_0] : memref<1000x128xf32, #tpu.memory_space<vmem>>, vector<1000x128xf32>
    %get3A_2 = arith.constant 0 : index
    %get3A_3 = arith.constant 0 : index
    %get3A_4 = vector.load %arg2[%get3A_2, %get3A_3] : memref<128x128xf32, #tpu.memory_space<vmem>>, vector<128x128xf32>
    %dot_general3A = arith.constant dense<0.000000e+00> : vector<1000x128xf32>
    %dot_general3A_5 = tpu.matmul %get3A_1, %get3A_4, %dot_general3A {dimension_numbers = #tpu.dot_dimension_numbers<[1], [1], [0], [0], [0, 0, 1, 0], [], []>, transpose_lhs_hint = false} : vector<1000x128xf32>, vector<128x128xf32>, vector<1000x128xf32> -> vector<1000x128xf32>
    %swap3A = arith.constant 0 : index
    %swap3A_6 = arith.constant 0 : index
    %swap3A_7 = vector.load %arg5[%swap3A, %swap3A_6] : memref<1000x128xf32, #tpu.memory_space<vmem>>, vector<1000x128xf32>
    tpu.vector_store %arg5[%swap3A, %swap3A_6], %dot_general3A_5 {strides = array<i32>} : memref<1000x128xf32, #tpu.memory_space<vmem>>, vector<1000x128xf32>,
    %get3A_8 = arith.constant 0 : index
    %get3A_9 = arith.constant 0 : index
    %get3A_10 = vector.load %arg3[%get3A_8, %get3A_9] : memref<128x128xf32, #tpu.memory_space<vmem>>, vector<128x128xf32>
    %dot_general3A_11 = arith.constant dense<0.000000e+00> : vector<1000x128xf32>
    %dot_general3A_12 = tpu.matmul %get3A_1, %get3A_10, %dot_general3A_11 {dimension_numbers = #tpu.dot_dimension_numbers<[1], [1], [0], [0], [0, 0, 1, 0], [], []>, transpose_lhs_hint = false} : vector<1000x128xf32>, vector<128x128xf32>, vector<1000x128xf32> -> vector<1000x128xf32>
    %get3A_13 = arith.constant 0 : index
    %get3A_14 = arith.constant 0 : index
    %get3A_15 = vector.load %arg4[%get3A_13, %get3A_14] : memref<1x128xf32, #tpu.memory_space<vmem>>, vector<1x128xf32>
    %add3A = vector.broadcast %get3A_15 : vector<1x128xf32> to vector<1000x128xf32>
    %add3A_16 = arith.addf %dot_general3A_12, %add3A : vector<1000x128xf32>
    %swap3A_17 = arith.constant 0 : index
    %swap3A_18 = arith.constant 0 : index
    %swap3A_19 = vector.load %arg6[%swap3A_17, %swap3A_18] : memref<1000x128xf32, #tpu.memory_space<vmem>>, vector<1000x128xf32>
    tpu.vector_store %arg6[%swap3A_17, %swap3A_18], %add3A_16 {strides = array<i32>} : memref<1000x128xf32, #tpu.memory_space<vmem>>, vector<1000x128xf32>,
    return
  }
  func.func @transform_0(%arg0: i32) -> (i32, i32) {
    %c0_i32 = arith.constant 0 : i32
    %c0_i32_0 = arith.constant 0 : i32
    return %arg0, %c0_i32 : i32, i32
  }
  func.func @transform_1(%arg0: i32) -> (i32, i32) {
    %c0_i32 = arith.constant 0 : i32
    %c0_i32_0 = arith.constant 0 : i32
    %c0_i32_1 = arith.constant 0 : i32
    return %c0_i32, %c0_i32_0 : i32, i32
  }
  func.func @transform_2(%arg0: i32) -> (i32, i32) {
    %c0_i32 = arith.constant 0 : i32
    %c0_i32_0 = arith.constant 0 : i32
    %c0_i32_1 = arith.constant 0 : i32
    return %c0_i32, %c0_i32_0 : i32, i32
  }
  func.func @transform_3(%arg0: i32) -> (i32, i32) {
    %c0_i32 = arith.constant 0 : i32
    %c0_i32_0 = arith.constant 0 : i32
    %c0_i32_1 = arith.constant 0 : i32
    return %c0_i32, %c0_i32_0 : i32, i32
  }
  func.func @transform_4(%arg0: i32) -> (i32, i32) {
    %c0_i32 = arith.constant 0 : i32
    %c0_i32_0 = arith.constant 0 : i32
    return %arg0, %c0_i32 : i32, i32
  }
  func.func @transform_5(%arg0: i32) -> (i32, i32) {
    %c0_i32 = arith.constant 0 : i32
    %c0_i32_0 = arith.constant 0 : i32
    return %arg0, %c0_i32 : i32, i32
  }
}

module attributes {stable_mosaic.version = 14 : i64} {
  func.func @_tc_mid_body(%arg0: i32, %arg1: memref<2x1000x128xf32, #tpu.memory_space<vmem>>, %arg2: memref<2x1000x128xf32, #tpu.memory_space<vmem>>, %arg3: memref<1000x128xf32, #tpu.memory_space<vmem>>, %arg4: memref<128x128xf32, #tpu.memory_space<vmem>>, %arg5: memref<128x128xf32, #tpu.memory_space<vmem>>, %arg6: memref<1x128xf32, #tpu.memory_space<vmem>>, %arg7: memref<1000x128xf32, #tpu.memory_space<vmem>>, %arg8: memref<1000x128xf32, #tpu.memory_space<vmem>>) attributes {dimension_semantics = [#tpu.dimension_semantics<arbitrary>], iteration_bounds = array<i64: 10>, scalar_prefetch = 0 : i64, scratch_operands = 0 : i64, tpu.core_type = #tpu.core_type<tc>, window_params = [{transform_indices = @transform_0, window_bounds = array<i64: 2, 1000, 128>}, {transform_indices = @transform_1, window_bounds = array<i64: 2, 1000, 128>}, {transform_indices = @transform_2, window_bounds = array<i64: 1000, 128>}, {pipeline_mode = #tpu.pipeline_mode<synchronous>, transform_indices = @transform_3, window_bounds = array<i64: 128, 128>}, {pipeline_mode = #tpu.pipeline_mode<synchronous>, transform_indices = @transform_4, window_bounds = array<i64: 128, 128>}, {pipeline_mode = #tpu.pipeline_mode<synchronous>, transform_indices = @transform_5, window_bounds = array<i64: 1, 128>}, {transform_indices = @transform_6, window_bounds = array<i64: 1000, 128>}, {transform_indices = @transform_7, window_bounds = array<i64: 1000, 128>}]} {
    %get3A = arith.constant 0 : index
    %get3A_0 = arith.constant 0 : index
    %get3A_1 = arith.constant 0 : index
    %get3A_2 = vector.load %arg1[%get3A, %get3A_0, %get3A_1] : memref<2x1000x128xf32, #tpu.memory_space<vmem>>, vector<1x1000x128xf32>
    %get3A_3 = vector.shape_cast %get3A_2 : vector<1x1000x128xf32> to vector<1000x128xf32>
    %get3A_4 = arith.constant 1 : index
    %get3A_5 = arith.constant 0 : index
    %get3A_6 = arith.constant 0 : index
    %get3A_7 = vector.load %arg1[%get3A_4, %get3A_5, %get3A_6] : memref<2x1000x128xf32, #tpu.memory_space<vmem>>, vector<1x1000x128xf32>
    %get3A_8 = vector.shape_cast %get3A_7 : vector<1x1000x128xf32> to vector<1000x128xf32>
    %add3A = arith.addf %get3A_3, %get3A_8 : vector<1000x128xf32>
    %get3A_9 = arith.constant 0 : index
    %get3A_10 = arith.constant 0 : index
    %get3A_11 = arith.constant 0 : index
    %get3A_12 = vector.load %arg2[%get3A_9, %get3A_10, %get3A_11] : memref<2x1000x128xf32, #tpu.memory_space<vmem>>, vector<1x1000x1xf32>
    %get3A_13 = vector.shape_cast %get3A_12 : vector<1x1000x1xf32> to vector<1000x1xf32>
    %get3A_14 = arith.constant 1 : index
    %get3A_15 = arith.constant 0 : index
    %get3A_16 = arith.constant 0 : index
    %get3A_17 = vector.load %arg2[%get3A_14, %get3A_15, %get3A_16] : memref<2x1000x128xf32, #tpu.memory_space<vmem>>, vector<1x1000x1xf32>
    %get3A_18 = vector.shape_cast %get3A_17 : vector<1x1000x1xf32> to vector<1000x1xf32>
    %add3A_19 = arith.addf %get3A_13, %get3A_18 : vector<1000x1xf32>
    %max3A = arith.constant 1.000000e+00 : f32
    %max3A_20 = vector.broadcast %max3A : f32 to vector<1000x1xf32>
    %max3A_21 = arith.maximumf %add3A_19, %max3A_20 : vector<1000x1xf32>
    %div3A = vector.broadcast %max3A_21 : vector<1000x1xf32> to vector<1000x128xf32>
    %div3A_22 = arith.divf %add3A, %div3A : vector<1000x128xf32>
    %get3A_23 = arith.constant 0 : index
    %get3A_24 = arith.constant 0 : index
    %get3A_25 = vector.load %arg3[%get3A_23, %get3A_24] : memref<1000x128xf32, #tpu.memory_space<vmem>>, vector<1000x128xf32>
    %add3A_26 = arith.addf %div3A_22, %get3A_25 : vector<1000x128xf32>
    %max3A_27 = arith.constant 0.000000e+00 : f32
    %max3A_28 = vector.broadcast %max3A_27 : f32 to vector<1000x128xf32>
    %max3A_29 = arith.maximumf %add3A_26, %max3A_28 : vector<1000x128xf32>
    %get3A_30 = arith.constant 0 : index
    %get3A_31 = arith.constant 0 : index
    %get3A_32 = vector.load %arg4[%get3A_30, %get3A_31] : memref<128x128xf32, #tpu.memory_space<vmem>>, vector<128x128xf32>
    %dot_general3A = arith.constant dense<0.000000e+00> : vector<1000x128xf32>
    %dot_general3A_33 = tpu.matmul %max3A_29, %get3A_32, %dot_general3A {dimension_numbers = #tpu.dot_dimension_numbers<[1], [1], [0], [0], [0, 0, 1, 0], [], []>, transpose_lhs_hint = false} : vector<1000x128xf32>, vector<128x128xf32>, vector<1000x128xf32> -> vector<1000x128xf32>
    %swap3A = arith.constant 0 : index
    %swap3A_34 = arith.constant 0 : index
    %swap3A_35 = vector.load %arg7[%swap3A, %swap3A_34] : memref<1000x128xf32, #tpu.memory_space<vmem>>, vector<1000x128xf32>
    tpu.vector_store %arg7[%swap3A, %swap3A_34], %dot_general3A_33 {strides = array<i32>} : memref<1000x128xf32, #tpu.memory_space<vmem>>, vector<1000x128xf32>,
    %get3A_36 = arith.constant 0 : index
    %get3A_37 = arith.constant 0 : index
    %get3A_38 = vector.load %arg5[%get3A_36, %get3A_37] : memref<128x128xf32, #tpu.memory_space<vmem>>, vector<128x128xf32>
    %dot_general3A_39 = arith.constant dense<0.000000e+00> : vector<1000x128xf32>
    %dot_general3A_40 = tpu.matmul %max3A_29, %get3A_38, %dot_general3A_39 {dimension_numbers = #tpu.dot_dimension_numbers<[1], [1], [0], [0], [0, 0, 1, 0], [], []>, transpose_lhs_hint = false} : vector<1000x128xf32>, vector<128x128xf32>, vector<1000x128xf32> -> vector<1000x128xf32>
    %get3A_41 = arith.constant 0 : index
    %get3A_42 = arith.constant 0 : index
    %get3A_43 = vector.load %arg6[%get3A_41, %get3A_42] : memref<1x128xf32, #tpu.memory_space<vmem>>, vector<1x128xf32>
    %add3A_44 = vector.broadcast %get3A_43 : vector<1x128xf32> to vector<1000x128xf32>
    %add3A_45 = arith.addf %dot_general3A_40, %add3A_44 : vector<1000x128xf32>
    %swap3A_46 = arith.constant 0 : index
    %swap3A_47 = arith.constant 0 : index
    %swap3A_48 = vector.load %arg8[%swap3A_46, %swap3A_47] : memref<1000x128xf32, #tpu.memory_space<vmem>>, vector<1000x128xf32>
    tpu.vector_store %arg8[%swap3A_46, %swap3A_47], %add3A_45 {strides = array<i32>} : memref<1000x128xf32, #tpu.memory_space<vmem>>, vector<1000x128xf32>,
    return
  }
  func.func @transform_0(%arg0: i32) -> (i32, i32, i32) {
    %c0_i32 = arith.constant 0 : i32
    %c0_i32_0 = arith.constant 0 : i32
    %c0_i32_1 = arith.constant 0 : i32
    return %c0_i32, %arg0, %c0_i32_0 : i32, i32, i32
  }
  func.func @transform_1(%arg0: i32) -> (i32, i32, i32) {
    %c0_i32 = arith.constant 0 : i32
    %c0_i32_0 = arith.constant 0 : i32
    %c0_i32_1 = arith.constant 0 : i32
    return %c0_i32, %arg0, %c0_i32_0 : i32, i32, i32
  }
  func.func @transform_2(%arg0: i32) -> (i32, i32) {
    %c0_i32 = arith.constant 0 : i32
    %c0_i32_0 = arith.constant 0 : i32
    return %arg0, %c0_i32 : i32, i32
  }
  func.func @transform_3(%arg0: i32) -> (i32, i32) {
    %c0_i32 = arith.constant 0 : i32
    %c0_i32_0 = arith.constant 0 : i32
    %c0_i32_1 = arith.constant 0 : i32
    return %c0_i32, %c0_i32_0 : i32, i32
  }
  func.func @transform_4(%arg0: i32) -> (i32, i32) {
    %c0_i32 = arith.constant 0 : i32
    %c0_i32_0 = arith.constant 0 : i32
    %c0_i32_1 = arith.constant 0 : i32
    return %c0_i32, %c0_i32_0 : i32, i32
  }
  func.func @transform_5(%arg0: i32) -> (i32, i32) {
    %c0_i32 = arith.constant 0 : i32
    %c0_i32_0 = arith.constant 0 : i32
    %c0_i32_1 = arith.constant 0 : i32
    return %c0_i32, %c0_i32_0 : i32, i32
  }
  func.func @transform_6(%arg0: i32) -> (i32, i32) {
    %c0_i32 = arith.constant 0 : i32
    %c0_i32_0 = arith.constant 0 : i32
    return %arg0, %c0_i32 : i32, i32
  }
  func.func @transform_7(%arg0: i32) -> (i32, i32) {
    %c0_i32 = arith.constant 0 : i32
    %c0_i32_0 = arith.constant 0 : i32
    return %arg0, %c0_i32 : i32, i32
  }
}

module attributes {stable_mosaic.version = 14 : i64} {
  func.func @_tc_post_body(%arg0: i32, %arg1: memref<2x1000x128xf32, #tpu.memory_space<vmem>>, %arg2: memref<2x1000x128xf32, #tpu.memory_space<vmem>>, %arg3: memref<1000x128xf32, #tpu.memory_space<vmem>>, %arg4: memref<1000x128xf32, #tpu.memory_space<vmem>>) attributes {dimension_semantics = [#tpu.dimension_semantics<arbitrary>], iteration_bounds = array<i64: 10>, scalar_prefetch = 0 : i64, scratch_operands = 0 : i64, tpu.core_type = #tpu.core_type<tc>, window_params = [{transform_indices = @transform_0, window_bounds = array<i64: 2, 1000, 128>}, {transform_indices = @transform_1, window_bounds = array<i64: 2, 1000, 128>}, {transform_indices = @transform_2, window_bounds = array<i64: 1000, 128>}, {transform_indices = @transform_3, window_bounds = array<i64: 1000, 128>}]} {
    %get3A = arith.constant 0 : index
    %get3A_0 = arith.constant 0 : index
    %get3A_1 = arith.constant 0 : index
    %get3A_2 = vector.load %arg1[%get3A, %get3A_0, %get3A_1] : memref<2x1000x128xf32, #tpu.memory_space<vmem>>, vector<1x1000x128xf32>
    %get3A_3 = vector.shape_cast %get3A_2 : vector<1x1000x128xf32> to vector<1000x128xf32>
    %get3A_4 = arith.constant 1 : index
    %get3A_5 = arith.constant 0 : index
    %get3A_6 = arith.constant 0 : index
    %get3A_7 = vector.load %arg1[%get3A_4, %get3A_5, %get3A_6] : memref<2x1000x128xf32, #tpu.memory_space<vmem>>, vector<1x1000x128xf32>
    %get3A_8 = vector.shape_cast %get3A_7 : vector<1x1000x128xf32> to vector<1000x128xf32>
    %add3A = arith.addf %get3A_3, %get3A_8 : vector<1000x128xf32>
    %get3A_9 = arith.constant 0 : index
    %get3A_10 = arith.constant 0 : index
    %get3A_11 = arith.constant 0 : index
    %get3A_12 = vector.load %arg2[%get3A_9, %get3A_10, %get3A_11] : memref<2x1000x128xf32, #tpu.memory_space<vmem>>, vector<1x1000x1xf32>
    %get3A_13 = vector.shape_cast %get3A_12 : vector<1x1000x1xf32> to vector<1000x1xf32>
    %get3A_14 = arith.constant 1 : index
    %get3A_15 = arith.constant 0 : index
    %get3A_16 = arith.constant 0 : index
    %get3A_17 = vector.load %arg2[%get3A_14, %get3A_15, %get3A_16] : memref<2x1000x128xf32, #tpu.memory_space<vmem>>, vector<1x1000x1xf32>
    %get3A_18 = vector.shape_cast %get3A_17 : vector<1x1000x1xf32> to vector<1000x1xf32>
    %add3A_19 = arith.addf %get3A_13, %get3A_18 : vector<1000x1xf32>
    %max3A = arith.constant 1.000000e+00 : f32
    %max3A_20 = vector.broadcast %max3A : f32 to vector<1000x1xf32>
    %max3A_21 = arith.maximumf %add3A_19, %max3A_20 : vector<1000x1xf32>
    %div3A = vector.broadcast %max3A_21 : vector<1000x1xf32> to vector<1000x128xf32>
    %div3A_22 = arith.divf %add3A, %div3A : vector<1000x128xf32>
    %get3A_23 = arith.constant 0 : index
    %get3A_24 = arith.constant 0 : index
    %get3A_25 = vector.load %arg3[%get3A_23, %get3A_24] : memref<1000x128xf32, #tpu.memory_space<vmem>>, vector<1000x128xf32>
    %add3A_26 = arith.addf %div3A_22, %get3A_25 : vector<1000x128xf32>
    %swap3A = arith.constant 0 : index
    %swap3A_27 = arith.constant 0 : index
    %swap3A_28 = vector.load %arg4[%swap3A, %swap3A_27] : memref<1000x128xf32, #tpu.memory_space<vmem>>, vector<1000x128xf32>
    tpu.vector_store %arg4[%swap3A, %swap3A_27], %add3A_26 {strides = array<i32>} : memref<1000x128xf32, #tpu.memory_space<vmem>>, vector<1000x128xf32>,
    return
  }
  func.func @transform_0(%arg0: i32) -> (i32, i32, i32) {
    %c0_i32 = arith.constant 0 : i32
    %c0_i32_0 = arith.constant 0 : i32
    %c0_i32_1 = arith.constant 0 : i32
    return %c0_i32, %arg0, %c0_i32_0 : i32, i32, i32
  }
  func.func @transform_1(%arg0: i32) -> (i32, i32, i32) {
    %c0_i32 = arith.constant 0 : i32
    %c0_i32_0 = arith.constant 0 : i32
    %c0_i32_1 = arith.constant 0 : i32
    return %c0_i32, %arg0, %c0_i32_0 : i32, i32, i32
  }
  func.func @transform_2(%arg0: i32) -> (i32, i32) {
    %c0_i32 = arith.constant 0 : i32
    %c0_i32_0 = arith.constant 0 : i32
    return %arg0, %c0_i32 : i32, i32
  }
  func.func @transform_3(%arg0: i32) -> (i32, i32) {
    %c0_i32 = arith.constant 0 : i32
    %c0_i32_0 = arith.constant 0 : i32
    return %arg0, %c0_i32 : i32, i32
  }
}

</mosaic_0001>

<sc_bundles>
// kernel: sc_sage_agg.4.cloned.1.call-start
scs
__scs_entry_jumppad:
0x0: {  	(pc) =	sbr.rel $0x88, $3  }
0x1: {  	(tag) =	ssettag $0x0;
	lr =	simm.s32 $0x1  }
0x2: {  	[smem:$0x3F99] =	sst lr;
	_ =	strace $0xD0000000  }
0x3: {  	_ = 	snop  }
0x4: {  	_ = 	snop  }
0x5: {  	_ = 	snop  }
0x6: {  	_ = 	snop  }
0x7: {  	_ = 	snop  }
__scs_overlays_trampoline_lowered:
0x8: {  	[smem:$0x3FA8] =	sst s0  }
0x9: {  	[smem:$0x3FA9] =	sst s1  }
0xa: {  	[smem:$0x3FAA] =	sst s2  }
0xb: {  	[smem:$0x3FAB] =	sst s3  }
0xc: {  	[smem:$0x3FAC] =	sst s4  }
0xd: {  	[smem:$0x3FAD] =	sst s5  }
0xe: {  	[smem:$0x3FAE] =	sst s6  }
0xf: {  	[smem:$0x3FAF] =	sst s7  }
0x10: {  	[smem:$0x3FB0] =	sst s8  }
0x11: {  	[smem:$0x3FB1] =	sst s9;
	s0 =	simm.s32 @!p0 $0x0  }
0x12: {  	s1 =	sld [smem:$0x3F97];
	s0 =	simm.s32 @p0 $0x1  }
0x13: {  	[smem:$0x3FB2] =	sst s0;
	s0 =	simm.s32 @!p1 $0x0  }
0x14: {  	s2 =	sld [smem:$0x3F96];
	s0 =	simm.s32 @p1 $0x1  }
0x15: {  	[smem:$0x3FB3] =	sst s0;
	s0 =	simm.s32 @!p2 $0x0  }
0x16: {  	s3 =	sld [smem:$0x3FDB];
	s0 =	simm.s32 @p2 $0x1  }
0x17: {  	s4 =	simm.s32 $0x1BF5;
	[smem:$0x3FB5] =	sst s0  }
0x18: {  	s0 =	sld [smem:$0x3F98];
	_ =	swait.ge [sflag:s4], $0x0  }
0x19: {  	s7 =	sld [smem:$0x3F99]  }
0x1a: {  	s8 =	sadd.s32 $0xFFFFE003, lr  }
0x1b: {  	s9 =	sadd.s32 $0xFFFFFEF7, lr;
	s5 =	simm.s32 $0xFFFFFFFF;
	p2 =	slt.u32 s8, $0xFFFFF086  }
0x1c: {  	p1 =	slt.u32 s9, $0xF7A;
	s5 =	simm.s32 @!p2 $0x0  }
0x1d: {  	s5 =	simm.s32 @p1 $0x1;
	p0 =	seq.s32 s7, s2  }
0x1e: {  	s7 =	smul.u32 @!p0 $0xF7A, s2;
	p2 =	seq.s32 @!p0 s5, $0x0  }
0x1f: {  	s9 =	smul.u32 $0xF7A, s1;
	s8 =	simm.s32 @!p0 $0x1BF5;
	p2 =	por !p2, p0  }
0x20: {  	[sflag:s8] =	ssyncset.s32 @!p0 $0xFFFFF086;
	s6 =	sadd.s32 @!p0 s3, s7;
	s7 =	simm.s32 @!p0 $0x108  }
0x21: {  	s3 =	sadd.s32 s3, s9;
	s6 =	sadd.s32 @!p0 $0x88, s6;
	s7 =	simm.s32 @p2 $0x1082  }
0x22: {  	[simem:s7], [sflag:s8] =	dma.local @!p0 [hbm:s6], $0xF7A  }
0x23: {  	s9 =	sor.u32 $0xD0000000, s2;
	s6 =	simm.s32 $0x108;
	_ =	swait.ge @!p0 [sflag:s8], $0x0  }
0x24: {  	s3 =	sadd.s32 $0x88, s3;
	s6 =	simm.s32 @!p1 $0x1082;
	[sflag:s4] =	ssyncset.s32 $0xFFFFF086  }
0x25: {  	[simem:s6], [sflag:s4] =	dma.local [hbm:s3], $0xF7A  }
0x26: {  	[smem:$0x3F99] =	sst s1;
	(tag) =	ssettag s2;
	_ =	strace s9  }
0x27: {  	s1 =	sld [smem:$0x3FA9]  }
0x28: {  	s2 =	sld [smem:$0x3FAA]  }
0x29: {  	s4 =	sld [smem:$0x3FAC]  }
0x2a: {  	p0 =	seq.s32 s5, $0x0;
	s5 =	sld [smem:$0x3FAD]  }
0x2b: {  	s6 =	sld [smem:$0x3FAE]  }
0x2c: {  	s7 =	sld [smem:$0x3FAF]  }
0x2d: {  	s3 =	simm.s32 $0x108;
	s8 =	sld [smem:$0x3FB0]  }
0x2e: {  	s3 =	simm.s32 @!p0 $0x1082;
	s9 =	sld [smem:$0x3FB1]  }
0x2f: {  	lr =	sadd.s32 s0, s3;
	s0 =	sld [smem:$0x3FA8]  }
0x30: {  	s3 =	sld [smem:$0x3FAB]  }
0x31: {  	[smem:$0x3FB4] =	sst s10  }
0x32: {  	s10 =	sld [smem:$0x3FB2];
	_ =	sdelay $0x3  }
0x33: {  	p0 =	seq.s32 s10, $0x1;
	s10 =	sld [smem:$0x3FB4];
	_ =	sdelay $0x3  }
0x34: {  	[smem:$0x3FB4] =	sst s10  }
0x35: {  	s10 =	sld [smem:$0x3FB3];
	_ =	sdelay $0x3  }
0x36: {  	p1 =	seq.s32 s10, $0x1;
	s10 =	sld [smem:$0x3FB4];
	_ =	sdelay $0x3  }
0x37: {  	[smem:$0x3FB4] =	sst s10  }
0x38: {  	s10 =	sld [smem:$0x3FB5]  }
0x39: {  	_ = 	snop;
	(pc) =	sbr.ind lr, $3  }
0x3a: {  	_ = 	snop  }
0x3b: {  	_ = 	snop  }
0x3c: {  	p2 =	seq.s32 s10, $0x1;
	s10 =	sld [smem:$0x3FB4]  }
0x3d: {  	_ =	shalt  }
0x3e: {  	_ =	shalt  }
0x3f: {  	_ =	shalt  }
0x40: {  	_ =	shalt  }
0x41: {  	_ =	shalt  }
0x42: {  	_ =	shalt  }
0x43: {  	_ =	shalt  }
0x44: {  	_ =	shalt  }
0x45: {  	_ =	shalt  }
0x46: {  	_ =	shalt  }
0x47: {  	_ =	shalt  }
0x48: {  	_ =	shalt  }
0x49: {  	_ =	shalt  }
0x4a: {  	_ =	shalt  }
0x4b: {  	_ =	shalt  }
0x4c: {  	_ =	shalt  }
0x4d: {  	_ =	shalt  }
0x4e: {  	_ =	shalt  }
0x4f: {  	_ =	shalt  }
0x50: {  	_ =	shalt  }
0x51: {  	_ =	shalt  }
0x52: {  	_ =	shalt  }
0x53: {  	_ =	shalt  }
0x54: {  	_ =	shalt  }
0x55: {  	_ =	shalt  }
0x56: {  	_ =	shalt  }
0x57: {  	_ =	shalt  }
0x58: {  	_ =	shalt  }
0x59: {  	_ =	shalt  }
0x5a: {  	_ =	shalt  }
0x5b: {  	_ =	shalt  }
0x5c: {  	_ =	shalt  }
0x5d: {  	_ =	shalt  }
0x5e: {  	_ =	shalt  }
0x5f: {  	_ =	shalt  }
0x60: {  	_ =	shalt  }
0x61: {  	_ =	shalt  }
0x62: {  	_ =	shalt  }
0x63: {  	_ =	shalt  }
0x64: {  	_ =	shalt  }
0x65: {  	_ =	shalt  }
0x66: {  	_ =	shalt  }
0x67: {  	_ =	shalt  }
0x68: {  	_ =	shalt  }
0x69: {  	_ =	shalt  }
0x6a: {  	_ =	shalt  }
0x6b: {  	_ =	shalt  }
0x6c: {  	_ =	shalt  }
0x6d: {  	_ =	shalt  }
0x6e: {  	_ =	shalt  }
0x6f: {  	_ =	shalt  }
0x70: {  	_ =	shalt  }
0x71: {  	_ =	shalt  }
0x72: {  	_ =	shalt  }
0x73: {  	_ =	shalt  }
0x74: {  	_ =	shalt  }
0x75: {  	_ =	shalt  }
0x76: {  	_ =	shalt  }
0x77: {  	_ =	shalt  }
0x78: {  	_ =	shalt  }
0x79: {  	_ =	shalt  }
0x7a: {  	_ =	shalt  }
0x7b: {  	_ =	shalt  }
0x7c: {  	_ =	shalt  }
0x7d: {  	_ =	shalt  }
0x7e: {  	_ =	shalt  }
0x7f: {  	_ =	shalt  }
0x80: {  	_ =	shalt  }
0x81: {  	_ =	shalt  }
0x82: {  	_ =	shalt  }
0x83: {  	_ =	shalt  }
0x84: {  	_ =	shalt  }
0x85: {  	_ =	shalt  }
0x86: {  	_ =	shalt  }
0x87: {  	_ =	shalt  }
.Lfunc_end0:
.L_simem_size_0:
called_computation.1_lowered:
.L_overlay_start_0:
0x88: {  	s2 =	sld [smem:$0x3FD9]  }
0x89: {  	s3 =	sld [smem:$0x3FFE];
	_ =	sdelay $0x1  }
0x8a: {  	s1 =	srdreg.scid  }
0x8b: {  	s0 =	sand.u32 $0x1, s1  }
0x8c: {  	s17 =	sshll.u32 s0, $0xA;
	s2 =	sadd.s32 s3, s2  }
0x8d: {  	s2 =	sadd.s32 s2, s17  }
0x8e: {  	[smem:$0x3FC0] =	sst s2  }
0x8f: {  	_ = 	snop  }
0x90: {  	s2 =	sld [smem:$0x3FD0];
	(tm) =	ssettm $0x1  }
0x91: {  	s18 =	sld [smem:$0x3FFB];
	_ =	sdelay $0x3  }
0x92: {  	_ =	strace s18  }
0x93: {  	s3 =	sld [smem:$0x3FFC];
	_ =	sdelay $0x3  }
0x94: {  	_ =	strace s3  }
0x95: {  	s3 =	sld [smem:$0x3FFD];
	_ =	sdelay $0x3  }
0x96: {  	_ =	strace s3  }
0x97: {  	_ =	strace $0x8FFFFFFF  }
0x98: {  	s19 =	sld [smem:$0x3FDB];
	_ =	sdelay $0x1  }
0x99: {  	s4 =	simm.s32 $_scs_section_size  }
0x9a: {  	s5 =	simm.s32 $_size__tile_overlayer_lowered;
	s6 =	simm.s32 $_tile_overlayer_lowered  }
0x9b: {  	s22 =	simm.s32 $0x1BFF;
	s21 =	sshll.u32 s6, $0x1;
	s3 =	sadd.s32 s4, s19  }
0x9c: {  	s7 =	simm.s32 $0x0;
	s20 =	sshll.u32 s5, $0x1;
	s5 =	sadd.s32 s21, s3  }
0x9d: {  	[timem:s7], [sflag:s22] =	dma.local [hbm:s5], s20  }
0x9e: {  	_ =	swait.ge [sflag:s22], s20  }
0x9f: {  	s4 =	ssub.s32 $0x0, s20;
	[sflag:s22] =	ssyncset.done $0x0  }
0xa0: {  	[sflag:s22] =	ssyncadd.s32 s4;
	_ =	sdelay $0x1  }
0xa1: {  	s23 =	simm.s32 $0x1B8B  }
0xa2: {  	_ =	swait.ge [sflag:s23], $0x1  }
0xa3: {  	[sflag:s23] =	ssyncset.done $0x0  }
0xa4: {  	s25 =	simm.s32 $0x1B8E;
	s24 =	sld [smem:$0x3FFE];
	[sflag:s23] =	ssyncadd.s32 $0xFFFFFFFF  }
0xa5: {  	s26 =	simm.s32 $execute0_lowered;
	[smem:$0x3FD2] =	sst s25  }
0xa6: {  	s5 =	sshll.u32 s26, $0x1;
	_ =	strace $0x80000046;
	[dreg:$0x1] =	wrdreg $0xFFFFFFFF  }
0xa7: {  	s28 =	simm.s32 $_size_execute0_lowered;
	s3 =	sadd.s32 s3, s5;
	[dreg:$0x0] =	wrdreg $0x0  }
0xa8: {  	s5 =	sshll.u32 s28, $0x1;
	[dreg:$0x2] =	wrdreg s3  }
0xa9: {  	[dreg:$0x3] =	wrdreg s5  }
0xaa: {  	[dreg:$0x4] =	wrdreg $0xC0  }
0xab: {  	_ =	task [dreg:s7], $0x5FFFF  }
0xac: {  	[dreg:$0x1] =	wrdreg $0xFFFFFFFF  }
0xad: {  	[dreg:$0x0] =	wrdreg $0x60  }
0xae: {  	[dreg:$0x2] =	wrdreg s2  }
0xaf: {  	[dreg:$0x3] =	wrdreg s24  }
0xb0: {  	[dreg:$0x4] =	wrdreg $0xA9000  }
0xb1: {  	[dreg:$0x5] =	wrdreg $0xA  }
0xb2: {  	_ =	task.clear_ibuf [dreg:s7], $0x6FFFF;
	_ =	strace $0x90000046  }
0xb3: {  	s29 =	simm.s32 $0xA;
	_ =	strace $0x80000048  }
0xb4: {  	_ =	swait.ge [sflag:s29], $0x1  }
0xb5: {  	[sflag:s29] =	ssyncadd.s32 $0xFFFFFFFF  }
0xb6: {  	_ =	strace $0x90000048  }
0xb7: {  	_ =	sfence  }
0xb8: {  	s30 =	sld [smem:$0x0];
	_ =	sdelay $0x2  }
0xb9: {  	s31 =	sshll.u32 s1, $0xD;
	s1 =	sshrl.u32 s1, $0x2  }
0xba: {  	s3 =	sand.u32 $0x4000, s31;
	s1 =	sadd.s32 s1, s30  }
0xbb: {  	s0 =	sor.u32 s3, s0;
	s1 =	sshll.u32 s1, $0x11  }
0xbc: {  	s0 =	sor.u32 s1, s0  }
0xbd: {  	s0 =	sadd.s32 $0x8F2B, s0  }
0xbe: {  	[sflag:s0] =	ssyncadd.remote.s32 $0x1  }
0xbf: {  	_ =	sfence.sel $0xFFFF  }
0xc0: {  	[dreg:$0x0] =	wrdreg $0xFFFFFFFF;
	(pc) =	sbr.abs _section_cstart, $3  }
0xc1: {  	[dreg:$0x1] =	wrdreg $0xFFFFFFFF  }
0xc2: {  	_ =	task.clear_ibuf [dreg:s7], $0x2FFFF;
	_ =	strace $0x9FFFFFFF  }
0xc3: {  	(tm) =	ssettm $0x7FFFFFFF  }
tec
execute0_lowered:
.L_overlay_start_1:
0x0: {  	(tag) =	ssettag $0x1  }
0x1: {  	s1 =	rddreg [dreg:$0x0]  }
0x2: {  	s5 =	rddreg [dreg:$0x1]  }
0x3: {  	s2 =	rddreg [dreg:$0x2]  }
0x4: {  	s3 =	simm.s32 $0x0;
	s4 =	srdreg.scid;
	s13 =	stileid.u32  }
0x5: {  	s18 =	simm.s32 $0x3;
	s19 =	simm.s32 $0x80;
	s20 =	simm.s32 $0x2900  }
0x6: {  	s21 =	simm.s32 $0x2880;
	s22 =	simm.s32 $0x6900;
	s23 =	simm.s32 $0x1  }
0x7: {  	s28 =	simm.s32 $0x0;
	[smem:$0x7FF] =	sst s3;
	s7 =	sand.u32 $0x1, s4  }
0x8: {  	s24 =	sshll.u32 s13, $0x1;
	s12 =	sadd.s32 $0x2C00, s5;
	s10 =	smul.u32 $0x4E000, s13  }
0x9: {  	s4 =	sadd.s32 $0x20C00, s5;
	s9 =	sadd.s32 $0x23400, s5;
	s25 =	smul.u32 $0x13800, s13  }
0xa: {  	s15 =	smul.u32 $0x5000, s13;
	s17 =	sadd.s32 $0x138000, s2;
	p0 =	sne.s32 s13, $0x0  }
0xb: {  	s31 =	sshll.u32 s13, $0x6;
	s13 =	simm.s32 $0x4;
	_ =	strace $0x80000047  }
0xc: {  	s6 =	sor.u32 s7, s24;
	s8 =	ssub.s32 $0x2, s7;
	s14 =	smul.u32 $0x138800, s7  }
0xd: {  	s26 =	smul.u32 $0x2800, s7;
	s24 =	simm.s32 $0x2;
	s11 =	sshrl.u32 s8, $0x1  }
0xe: {  	s6 =	smul.u32 $0x2800, s6;
	s10 =	sshrl.u32 s10, $0x2;
	s11 =	ssub.s32 s8, s11  }
0xf: {  	s16 =	sadd.s32 s10, s2;
	s8 =	sadd.s32 s25, s14;
	s14 =	sshrl.u32 s14, $0x3  }
0x10: {  	s10 =	sadd.s32 s26, s15;
	s6 =	sshrl.u32 s6, $0x3;
	s8 =	sshrl.u32 s8, $0x3  }
0x11: {  	s29 =	sor.u32 $0x100, s10;
	s15 =	sor.u32 $0x80, s10;
	s10 =	smax.u32 s11, $0x1  }
0x12: {  	s5 =	sadd.s32 s5, s6;
	s6 =	sadd.s32 s12, s6;
	s8 =	sadd.s32 s9, s8  }
0x13: {  	s9 =	sadd.s32 s9, s14;
	s14 =	sshrl.u32 s29, $0x3;
	s30 =	sshrl.u32 s15, $0x3  }
0x14: {  	s15 =	sshrl.u32 s16, $0x3;
	s16 =	sshrl.u32 @!p0 s17, $0x3;
	s17 =	simm.s32 $0x2800  }
0x15: {  	s5 =	sadd.s32 $0x16C00, s5;
	s7 =	sadd.s32 $0x4F0, s6;
	s9 =	sadd.s32 $0x27000, s9  }
0x16: {  	s11 =	sadd.s32 s14, s12;
	s12 =	sadd.s32 s30, s12;
	s14 =	sor.u32 $0x1C04, s31  }
.LBB2_1:
0x17: {  	[tilespmem:s3], [sflag:$0x4] =	stream.linear.gather [hbm4b:s5+s3], $0x2800, $0x38;
	[tilespmem:$0x1E200] =	vst v63  }
0x18: {  	_ =	swait.ge [sflag:s13], $0x2800  }
0x19: {  	[sflag:s13] =	ssyncset.done $0x0  }
0x1a: {  	[sflag:s13] =	ssyncadd.s32 $0xFFFFD800  }
0x1b: {  	[spmem:s15], [sflag:s14] =	dma.local [hbm:s4], $0x2700  }
0x1c: {  	_ =	swait.ge [sflag:s13], $0x2700  }
0x1d: {  	[sflag:s13] =	ssyncset.done $0x0  }
0x1e: {  	s29 =	simm.s32 @!p0 $0x4;
	[sflag:s13] =	ssyncadd.s32 $0xFFFFD900  }
0x1f: {  	[spmem:s16], [sflag:s14] =	dma.local @!p0 [hbm:s4], $0x100  }
0x20: {  	_ =	swait.ge @!p0 [sflag:s29], $0x100  }
0x21: {  	[sflag:s29] =	ssyncset.done @!p0 $0x0  }
0x22: {  	[sflag:s29] =	ssyncadd.s32 @!p0 $0xFFFFFF00  }
0x23: {  	[bflag:$0x0] =	sbarrier.arrive $0xFFFF  }
0x24: {  	[tilespmem:s17], [sflag:$0x3] =	stream.linear.gather [hbm4b:s6+s3], $0x80, $0x38;
	[tilespmem:$0x1E200] =	vst v63  }
0x25: {  	_ =	swait.ge [sflag:s18], $0x80  }
0x26: {  	[sflag:s18] =	ssyncset.done $0x0  }
0x27: {  	[sflag:s18] =	ssyncadd.s32 $0xFFFFFF80  }
0x28: {  	[tilespmem:s20], [sflag:$0x1] =	stream.indirect.gather [hbm4b:s1+s19], $0x80, s17, s19, $0xb8;
	[tilespmem:$0x1E200] =	vst v63  }
0x29: {  	s29 =	sadd.s32 $0x0, s12  }
0x2a: {  	[tilespmem:s21], [sflag:$0x3] =	stream.linear.gather [hbm4b:s29+s3], $0x80, $0x38;
	[tilespmem:$0x1E200] =	vst v63  }
0x2b: {  	_ =	swait.ge [sflag:s18], $0x80  }
0x2c: {  	[sflag:s18] =	ssyncset.done $0x0  }
0x2d: {  	[sflag:s18] =	ssyncadd.s32 $0xFFFFFF80  }
0x2e: {  	[tilespmem:s22], [sflag:$0x2] =	stream.indirect.gather [hbm4b:s1+s19], $0x80, s21, s19, $0xb8;
	[tilespmem:$0x1E200] =	vst v63  }
0x2f: {  	_ =	swait.ge [sflag:s23], $0x4000  }
0x30: {  	[sflag:s23] =	ssyncset.done $0x0  }
0x31: {  	[sflag:s23] =	ssyncadd.s32 $0xFFFFC000  }
0x32: {  	[spmem:s2] =	stream.indirect.scatter.add.f32 [tilespmem:s20], [sflag:$0x4], $0x80, s3, s19, $0xb8;
	[tilespmem:$0x1E200] =	vst v63  }
0x33: {  	_ =	swait.ge [sflag:s13], $0x4000  }
0x34: {  	[sflag:s13] =	ssyncset.done $0x0  }
0x35: {  	s29 =	sadd.s32 $0x0, s11;
	[sflag:s13] =	ssyncadd.s32 $0xFFFFC000  }
0x36: {  	[tilespmem:s17], [sflag:$0x3] =	stream.linear.gather [hbm4b:s29+s3], $0x80, $0x38;
	[tilespmem:$0x1E200] =	vst v63  }
0x37: {  	_ =	swait.ge [sflag:s18], $0x80  }
0x38: {  	[sflag:s18] =	ssyncset.done $0x0  }
0x39: {  	[sflag:s18] =	ssyncadd.s32 $0xFFFFFF80  }
0x3a: {  	[tilespmem:s20], [sflag:$0x1] =	stream.indirect.gather [hbm4b:s1+s19], $0x80, s17, s19, $0xb8;
	[tilespmem:$0x1E200] =	vst v63  }
0x3b: {  	_ =	swait.ge [sflag:s24], $0x4000  }
0x3c: {  	[sflag:s24] =	ssyncset.done $0x0  }
0x3d: {  	s29 =	simm.s32 $0x80;
	[sflag:s24] =	ssyncadd.s32 $0xFFFFC000  }
0x3e: {  	[spmem:s2] =	stream.indirect.scatter.add.f32 [tilespmem:s22], [sflag:$0x4], $0x80, s29, s19, $0xb8;
	[tilespmem:$0x1E200] =	vst v63  }
0x3f: {  	s30 =	simm.s32 $0x20;
	_ =	swait.ge [sflag:s13], $0x4000  }
0x40: {  	s31 =	simm.s32 $0x40;
	s29 =	simm.s32 $0x100;
	[sflag:s13] =	ssyncset.done $0x0  }
.LBB2_2:
0x41: {  	s0 =	sadd.s32 s30, s12  }
0x42: {  	[sflag:s13] =	ssyncadd.s32 $0xFFFFC000;
	s25 =	smov.u32 s31;
	s26 =	sadd.s32 $0x20, s31  }
0x43: {  	[tilespmem:s21], [sflag:$0x3] =	stream.linear.gather [hbm4b:s0+s3], $0x80, $0x38;
	[tilespmem:$0x1E200] =	vst v63  }
0x44: {  	p1 =	sne.s32 s31, $0x4C0;
	_ =	swait.ge [sflag:s18], $0x80  }
0x45: {  	[sflag:s18] =	ssyncset.done $0x0  }
0x46: {  	[sflag:s18] =	ssyncadd.s32 $0xFFFFFF80  }
0x47: {  	[tilespmem:s22], [sflag:$0x2] =	stream.indirect.gather [hbm4b:s1+s19], $0x80, s21, s19, $0xb8;
	[tilespmem:$0x1E200] =	vst v63  }
0x48: {  	_ =	swait.ge [sflag:s23], $0x4000  }
0x49: {  	[sflag:s23] =	ssyncset.done $0x0  }
0x4a: {  	[sflag:s23] =	ssyncadd.s32 $0xFFFFC000  }
0x4b: {  	[spmem:s2] =	stream.indirect.scatter.add.f32 [tilespmem:s20], [sflag:$0x4], $0x80, s29, s19, $0xb8;
	[tilespmem:$0x1E200] =	vst v63  }
0x4c: {  	_ =	swait.ge [sflag:s13], $0x4000  }
0x4d: {  	[sflag:s13] =	ssyncset.done $0x0  }
0x4e: {  	s0 =	sadd.s32 s30, s11;
	s30 =	smov.u32 s25;
	[sflag:s13] =	ssyncadd.s32 $0xFFFFC000  }
0x4f: {  	[tilespmem:s17], [sflag:$0x3] =	stream.linear.gather [hbm4b:s0+s3], $0x80, $0x38;
	[tilespmem:$0x1E200] =	vst v63  }
0x50: {  	_ =	swait.ge [sflag:s18], $0x80  }
0x51: {  	[sflag:s18] =	ssyncset.done $0x0  }
0x52: {  	[sflag:s18] =	ssyncadd.s32 $0xFFFFFF80  }
0x53: {  	[tilespmem:s20], [sflag:$0x1] =	stream.indirect.gather [hbm4b:s1+s19], $0x80, s17, s19, $0xb8;
	[tilespmem:$0x1E200] =	vst v63  }
0x54: {  	_ =	swait.ge [sflag:s24], $0x4000  }
.Ltmp0:
0x55: {  	[sflag:s24] =	ssyncset.done $0x0;
	(pc) =	sbr.rel @p1 .LBB2_2-.Ltmp0, $4  }
0x56: {  	s0 =	sadd.s32 $0x80, s29;
	[sflag:s24] =	ssyncadd.s32 $0xFFFFC000  }
0x57: {  	[spmem:s2] =	stream.indirect.scatter.add.f32 [tilespmem:s22], [sflag:$0x4], $0x80, s0, s19, $0xb8;
	[tilespmem:$0x1E200] =	vst v63  }
0x58: {  	_ =	swait.ge [sflag:s13], $0x4000  }
0x59: {  	s31 =	smov.u32 s26;
	s29 =	sadd.s32 $0x100, s29;
	[sflag:s13] =	ssyncset.done $0x0  }
0x5a: {  	s0 =	sadd.s32 s30, s12;
	[sflag:s13] =	ssyncadd.s32 $0xFFFFC000  }
0x5b: {  	[tilespmem:s21], [sflag:$0x3] =	stream.linear.gather [hbm4b:s0+s3], $0x80, $0x38;
	[tilespmem:$0x1E200] =	vst v63  }
0x5c: {  	_ =	swait.ge [sflag:s18], $0x80  }
0x5d: {  	[sflag:s18] =	ssyncset.done $0x0  }
0x5e: {  	[sflag:s18] =	ssyncadd.s32 $0xFFFFFF80  }
0x5f: {  	[tilespmem:s22], [sflag:$0x2] =	stream.indirect.gather [hbm4b:s1+s19], $0x80, s21, s19, $0xb8;
	[tilespmem:$0x1E200] =	vst v63  }
0x60: {  	_ =	swait.ge [sflag:s23], $0x4000  }
0x61: {  	[sflag:s23] =	ssyncset.done $0x0  }
0x62: {  	[sflag:s23] =	ssyncadd.s32 $0xFFFFC000  }
0x63: {  	[spmem:s2] =	stream.indirect.scatter.add.f32 [tilespmem:s20], [sflag:$0x4], $0x80, s29, s19, $0xb8;
	[tilespmem:$0x1E200] =	vst v63  }
0x64: {  	_ =	swait.ge [sflag:s13], $0x4000  }
0x65: {  	[sflag:s13] =	ssyncset.done $0x0  }
0x66: {  	s26 =	sadd.s32 s30, s11;
	[sflag:s13] =	ssyncadd.s32 $0xFFFFC000  }
0x67: {  	[tilespmem:s17], [sflag:$0x3] =	stream.linear.gather [hbm4b:s26+s3], $0x80, $0x38;
	[tilespmem:$0x1E200] =	vst v63  }
0x68: {  	_ =	swait.ge [sflag:s18], $0x80  }
0x69: {  	[sflag:s18] =	ssyncset.done $0x0  }
0x6a: {  	[sflag:s18] =	ssyncadd.s32 $0xFFFFFF80  }
0x6b: {  	[tilespmem:s20], [sflag:$0x1] =	stream.indirect.gather [hbm4b:s1+s19], $0x80, s17, s19, $0xb8;
	[tilespmem:$0x1E200] =	vst v63  }
0x6c: {  	_ =	swait.ge [sflag:s24], $0x4000  }
0x6d: {  	[sflag:s24] =	ssyncset.done $0x0  }
0x6e: {  	s29 =	sadd.s32 $0x80, s29;
	[sflag:s24] =	ssyncadd.s32 $0xFFFFC000  }
0x6f: {  	[spmem:s2] =	stream.indirect.scatter.add.f32 [tilespmem:s22], [sflag:$0x4], $0x80, s29, s19, $0xb8;
	[tilespmem:$0x1E200] =	vst v63  }
0x70: {  	_ =	swait.ge [sflag:s13], $0x4000  }
0x71: {  	[sflag:s13] =	ssyncset.done $0x0  }
0x72: {  	[sflag:s13] =	ssyncadd.s32 $0xFFFFC000  }
0x73: {  	_ =	swait.ge [sflag:s23], $0x4000  }
0x74: {  	[sflag:s23] =	ssyncset.done $0x0  }
0x75: {  	s30 =	simm.s32 $0x2700;
	[sflag:s23] =	ssyncadd.s32 $0xFFFFC000  }
0x76: {  	[spmem:s2] =	stream.indirect.scatter.add.f32 [tilespmem:s20], [sflag:$0x4], $0x80, s30, s19, $0xb8;
	[tilespmem:$0x1E200] =	vst v63  }
0x77: {  	_ =	swait.ge [sflag:s13], $0x4000  }
0x78: {  	[sflag:s13] =	ssyncset.done $0x0  }
0x79: {  	[sflag:s13] =	ssyncadd.s32 $0xFFFFC000  }
0x7a: {  	[tilespmem:s21], [sflag:$0x3] =	stream.linear.gather [hbm4b:s7+s3], $0x80, $0x38;
	[tilespmem:$0x1E200] =	vst v63  }
0x7b: {  	_ =	swait.ge [sflag:s18], $0x80  }
0x7c: {  	[sflag:s18] =	ssyncset.done $0x0  }
0x7d: {  	[sflag:s18] =	ssyncadd.s32 $0xFFFFFF80  }
0x7e: {  	[tilespmem:s22], [sflag:$0x2] =	stream.indirect.gather [hbm4b:s1+s19], $0x80, s21, s19, $0xb8;
	[tilespmem:$0x1E200] =	vst v63  }
0x7f: {  	_ =	swait.ge [sflag:s24], $0x4000  }
0x80: {  	[sflag:s24] =	ssyncset.done $0x0  }
0x81: {  	s31 =	simm.s32 $0x2780;
	[sflag:s24] =	ssyncadd.s32 $0xFFFFC000  }
0x82: {  	[spmem:s2] =	stream.indirect.scatter.add.f32 [tilespmem:s22], [sflag:$0x4], $0x80, s31, s19, $0xb8;
	[tilespmem:$0x1E200] =	vst v63  }
0x83: {  	_ =	swait.ge [sflag:s13], $0x4000  }
0x84: {  	[sflag:s13] =	ssyncset.done $0x0  }
0x85: {  	[sflag:s13] =	ssyncadd.s32 $0xFFFFC000  }
0x86: {  	[bflag:$0x0] =	sbarrier.arrive $0xFFFF  }
0x87: {  	[hbm:s8], [sflag:s14] =	dma.local [spmem:s15], $0x2700  }
0x88: {  	s28 =	sadd.s32 $0x1, s28;
	_ =	swait.ge [sflag:s13], $0x2700  }
0x89: {  	p1 =	sne.s32 s28, s10;
	[sflag:s13] =	ssyncset.done $0x0  }
.Ltmp1:
0x8a: {  	s0 =	simm.s32 @!p0 $0x4;
	[sflag:s13] =	ssyncadd.s32 $0xFFFFD900;
	(pc) =	sbr.rel @p1 .LBB2_1-.Ltmp1, $4  }
0x8b: {  	[hbm:s9], [sflag:s14] =	dma.local @!p0 [spmem:s16], $0x100  }
0x8c: {  	_ =	swait.ge @!p0 [sflag:s0], $0x100  }
0x8d: {  	[sflag:s0] =	ssyncset.done @!p0 $0x0  }
0x8e: {  	[sflag:s0] =	ssyncadd.s32 @!p0 $0xFFFFFF00  }
0x8f: {  	_ =	sfence.sel $0x180000  }
0x90: {  	[bflag:$0x0] =	sbarrier.arrive $0xFFFF  }
0x91: {  	_ =	strace $0x90000047  }
0x92: {  	[bflag:$0x2] =	sbarrier.arrive $0xFFFF  }
0x93: {  	s0 =	rddreg [dreg:$0x3]  }
0x94: {  	s0 =	sadd.s32 @!p0 $0x100000, s0  }
0x95: {  	[sflag:s0] =	ssyncadd.tile.s32 @!p0 $0x1;
	_ =	shalt  }
.Lfunc_end2:
_tile_overlayer_lowered:
.L_overlay_start_2:
0x96: {  	(tag) =	ssettag $0x2  }
0x97: {  	s0 =	rddreg [dreg:$0x0];
	s2 =	stileid.u32  }
0x98: {  	s1 =	rddreg [dreg:$0x1];
	p0 =	sne.s32 s2, $0x0  }
0x99: {  	s3 =	rddreg [dreg:$0x2];
	[bflag:$0x3] =	sbarrier.arrive $0xFFFF;
	s2 =	simm.s32 @!p0 $0x1C04  }
0x9a: {  	[timem:s3], [sflag:s2] =	dma.local @!p0 [hbm:s0], s1  }
0x9b: {  	s0 =	simm.s32 @!p0 $0x4  }
0x9c: {  	_ =	swait.ge @!p0 [sflag:s0], s1  }
0x9d: {  	s1 =	ssub.s32 @!p0 $0x0, s1;
	[sflag:s0] =	ssyncset.done @!p0 $0x0  }
0x9e: {  	[sflag:s0] =	ssyncadd.s32 @!p0 s1  }
0x9f: {  	[bflag:$0x3] =	sbarrier.arrive $0xFFFF  }
0xa0: {  	_ =	shalt  }

// kernel: sc_sage_agg.7.cloned.1.call-start
scs
__scs_entry_jumppad:
0x0: {  	(pc) =	sbr.rel $0x88, $3  }
0x1: {  	(tag) =	ssettag $0x0;
	lr =	simm.s32 $0x1  }
0x2: {  	[smem:$0x3F99] =	sst lr;
	_ =	strace $0xD0000000  }
0x3: {  	_ = 	snop  }
0x4: {  	_ = 	snop  }
0x5: {  	_ = 	snop  }
0x6: {  	_ = 	snop  }
0x7: {  	_ = 	snop  }
__scs_overlays_trampoline_lowered:
0x8: {  	[smem:$0x3FA8] =	sst s0  }
0x9: {  	[smem:$0x3FA9] =	sst s1  }
0xa: {  	[smem:$0x3FAA] =	sst s2  }
0xb: {  	[smem:$0x3FAB] =	sst s3  }
0xc: {  	[smem:$0x3FAC] =	sst s4  }
0xd: {  	[smem:$0x3FAD] =	sst s5  }
0xe: {  	[smem:$0x3FAE] =	sst s6  }
0xf: {  	[smem:$0x3FAF] =	sst s7  }
0x10: {  	[smem:$0x3FB0] =	sst s8  }
0x11: {  	[smem:$0x3FB1] =	sst s9;
	s0 =	simm.s32 @!p0 $0x0  }
0x12: {  	s1 =	sld [smem:$0x3F97];
	s0 =	simm.s32 @p0 $0x1  }
0x13: {  	[smem:$0x3FB2] =	sst s0;
	s0 =	simm.s32 @!p1 $0x0  }
0x14: {  	s2 =	sld [smem:$0x3F96];
	s0 =	simm.s32 @p1 $0x1  }
0x15: {  	[smem:$0x3FB3] =	sst s0;
	s0 =	simm.s32 @!p2 $0x0  }
0x16: {  	s3 =	sld [smem:$0x3FDB];
	s0 =	simm.s32 @p2 $0x1  }
0x17: {  	s4 =	simm.s32 $0x1BF5;
	[smem:$0x3FB5] =	sst s0  }
0x18: {  	s0 =	sld [smem:$0x3F98];
	_ =	swait.ge [sflag:s4], $0x0  }
0x19: {  	s7 =	sld [smem:$0x3F99]  }
0x1a: {  	s8 =	sadd.s32 $0xFFFFE003, lr  }
0x1b: {  	s9 =	sadd.s32 $0xFFFFFEF7, lr;
	s5 =	simm.s32 $0xFFFFFFFF;
	p2 =	slt.u32 s8, $0xFFFFF086  }
0x1c: {  	p1 =	slt.u32 s9, $0xF7A;
	s5 =	simm.s32 @!p2 $0x0  }
0x1d: {  	s5 =	simm.s32 @p1 $0x1;
	p0 =	seq.s32 s7, s2  }
0x1e: {  	s7 =	smul.u32 @!p0 $0xF7A, s2;
	p2 =	seq.s32 @!p0 s5, $0x0  }
0x1f: {  	s9 =	smul.u32 $0xF7A, s1;
	s8 =	simm.s32 @!p0 $0x1BF5;
	p2 =	por !p2, p0  }
0x20: {  	[sflag:s8] =	ssyncset.s32 @!p0 $0xFFFFF086;
	s6 =	sadd.s32 @!p0 s3, s7;
	s7 =	simm.s32 @!p0 $0x108  }
0x21: {  	s3 =	sadd.s32 s3, s9;
	s6 =	sadd.s32 @!p0 $0x88, s6;
	s7 =	simm.s32 @p2 $0x1082  }
0x22: {  	[simem:s7], [sflag:s8] =	dma.local @!p0 [hbm:s6], $0xF7A  }
0x23: {  	s9 =	sor.u32 $0xD0000000, s2;
	s6 =	simm.s32 $0x108;
	_ =	swait.ge @!p0 [sflag:s8], $0x0  }
0x24: {  	s3 =	sadd.s32 $0x88, s3;
	s6 =	simm.s32 @!p1 $0x1082;
	[sflag:s4] =	ssyncset.s32 $0xFFFFF086  }
0x25: {  	[simem:s6], [sflag:s4] =	dma.local [hbm:s3], $0xF7A  }
0x26: {  	[smem:$0x3F99] =	sst s1;
	(tag) =	ssettag s2;
	_ =	strace s9  }
0x27: {  	s1 =	sld [smem:$0x3FA9]  }
0x28: {  	s2 =	sld [smem:$0x3FAA]  }
0x29: {  	s4 =	sld [smem:$0x3FAC]  }
0x2a: {  	p0 =	seq.s32 s5, $0x0;
	s5 =	sld [smem:$0x3FAD]  }
0x2b: {  	s6 =	sld [smem:$0x3FAE]  }
0x2c: {  	s7 =	sld [smem:$0x3FAF]  }
0x2d: {  	s3 =	simm.s32 $0x108;
	s8 =	sld [smem:$0x3FB0]  }
0x2e: {  	s3 =	simm.s32 @!p0 $0x1082;
	s9 =	sld [smem:$0x3FB1]  }
0x2f: {  	lr =	sadd.s32 s0, s3;
	s0 =	sld [smem:$0x3FA8]  }
0x30: {  	s3 =	sld [smem:$0x3FAB]  }
0x31: {  	[smem:$0x3FB4] =	sst s10  }
0x32: {  	s10 =	sld [smem:$0x3FB2];
	_ =	sdelay $0x3  }
0x33: {  	p0 =	seq.s32 s10, $0x1;
	s10 =	sld [smem:$0x3FB4];
	_ =	sdelay $0x3  }
0x34: {  	[smem:$0x3FB4] =	sst s10  }
0x35: {  	s10 =	sld [smem:$0x3FB3];
	_ =	sdelay $0x3  }
0x36: {  	p1 =	seq.s32 s10, $0x1;
	s10 =	sld [smem:$0x3FB4];
	_ =	sdelay $0x3  }
0x37: {  	[smem:$0x3FB4] =	sst s10  }
0x38: {  	s10 =	sld [smem:$0x3FB5]  }
0x39: {  	_ = 	snop;
	(pc) =	sbr.ind lr, $3  }
0x3a: {  	_ = 	snop  }
0x3b: {  	_ = 	snop  }
0x3c: {  	p2 =	seq.s32 s10, $0x1;
	s10 =	sld [smem:$0x3FB4]  }
0x3d: {  	_ =	shalt  }
0x3e: {  	_ =	shalt  }
0x3f: {  	_ =	shalt  }
0x40: {  	_ =	shalt  }
0x41: {  	_ =	shalt  }
0x42: {  	_ =	shalt  }
0x43: {  	_ =	shalt  }
0x44: {  	_ =	shalt  }
0x45: {  	_ =	shalt  }
0x46: {  	_ =	shalt  }
0x47: {  	_ =	shalt  }
0x48: {  	_ =	shalt  }
0x49: {  	_ =	shalt  }
0x4a: {  	_ =	shalt  }
0x4b: {  	_ =	shalt  }
0x4c: {  	_ =	shalt  }
0x4d: {  	_ =	shalt  }
0x4e: {  	_ =	shalt  }
0x4f: {  	_ =	shalt  }
0x50: {  	_ =	shalt  }
0x51: {  	_ =	shalt  }
0x52: {  	_ =	shalt  }
0x53: {  	_ =	shalt  }
0x54: {  	_ =	shalt  }
0x55: {  	_ =	shalt  }
0x56: {  	_ =	shalt  }
0x57: {  	_ =	shalt  }
0x58: {  	_ =	shalt  }
0x59: {  	_ =	shalt  }
0x5a: {  	_ =	shalt  }
0x5b: {  	_ =	shalt  }
0x5c: {  	_ =	shalt  }
0x5d: {  	_ =	shalt  }
0x5e: {  	_ =	shalt  }
0x5f: {  	_ =	shalt  }
0x60: {  	_ =	shalt  }
0x61: {  	_ =	shalt  }
0x62: {  	_ =	shalt  }
0x63: {  	_ =	shalt  }
0x64: {  	_ =	shalt  }
0x65: {  	_ =	shalt  }
0x66: {  	_ =	shalt  }
0x67: {  	_ =	shalt  }
0x68: {  	_ =	shalt  }
0x69: {  	_ =	shalt  }
0x6a: {  	_ =	shalt  }
0x6b: {  	_ =	shalt  }
0x6c: {  	_ =	shalt  }
0x6d: {  	_ =	shalt  }
0x6e: {  	_ =	shalt  }
0x6f: {  	_ =	shalt  }
0x70: {  	_ =	shalt  }
0x71: {  	_ =	shalt  }
0x72: {  	_ =	shalt  }
0x73: {  	_ =	shalt  }
0x74: {  	_ =	shalt  }
0x75: {  	_ =	shalt  }
0x76: {  	_ =	shalt  }
0x77: {  	_ =	shalt  }
0x78: {  	_ =	shalt  }
0x79: {  	_ =	shalt  }
0x7a: {  	_ =	shalt  }
0x7b: {  	_ =	shalt  }
0x7c: {  	_ =	shalt  }
0x7d: {  	_ =	shalt  }
0x7e: {  	_ =	shalt  }
0x7f: {  	_ =	shalt  }
0x80: {  	_ =	shalt  }
0x81: {  	_ =	shalt  }
0x82: {  	_ =	shalt  }
0x83: {  	_ =	shalt  }
0x84: {  	_ =	shalt  }
0x85: {  	_ =	shalt  }
0x86: {  	_ =	shalt  }
0x87: {  	_ =	shalt  }
.Lfunc_end0:
.L_simem_size_0:
called_computation.2_lowered:
.L_overlay_start_0:
0x88: {  	s2 =	sld [smem:$0x3FD9]  }
0x89: {  	s3 =	sld [smem:$0x3FFE];
	_ =	sdelay $0x1  }
0x8a: {  	s1 =	srdreg.scid  }
0x8b: {  	s0 =	sand.u32 $0x1, s1  }
0x8c: {  	s17 =	sshll.u32 s0, $0xA;
	s2 =	sadd.s32 s3, s2  }
0x8d: {  	s2 =	sadd.s32 s2, s17  }
0x8e: {  	[smem:$0x3FC0] =	sst s2  }
0x8f: {  	_ = 	snop  }
0x90: {  	s2 =	sld [smem:$0x3FD0];
	(tm) =	ssettm $0x1  }
0x91: {  	s18 =	sld [smem:$0x3FFB];
	_ =	sdelay $0x3  }
0x92: {  	_ =	strace s18  }
0x93: {  	s3 =	sld [smem:$0x3FFC];
	_ =	sdelay $0x3  }
0x94: {  	_ =	strace s3  }
0x95: {  	s3 =	sld [smem:$0x3FFD];
	_ =	sdelay $0x3  }
0x96: {  	_ =	strace s3  }
0x97: {  	_ =	strace $0x8FFFFFFF  }
0x98: {  	s19 =	sld [smem:$0x3FDB];
	_ =	sdelay $0x1  }
0x99: {  	s4 =	simm.s32 $_scs_section_size  }
0x9a: {  	s5 =	simm.s32 $_size__tile_overlayer_lowered;
	s6 =	simm.s32 $_tile_overlayer_lowered  }
0x9b: {  	s22 =	simm.s32 $0x1BFF;
	s21 =	sshll.u32 s6, $0x1;
	s3 =	sadd.s32 s4, s19  }
0x9c: {  	s7 =	simm.s32 $0x0;
	s20 =	sshll.u32 s5, $0x1;
	s5 =	sadd.s32 s21, s3  }
0x9d: {  	[timem:s7], [sflag:s22] =	dma.local [hbm:s5], s20  }
0x9e: {  	_ =	swait.ge [sflag:s22], s20  }
0x9f: {  	s4 =	ssub.s32 $0x0, s20;
	[sflag:s22] =	ssyncset.done $0x0  }
0xa0: {  	[sflag:s22] =	ssyncadd.s32 s4;
	_ =	sdelay $0x1  }
0xa1: {  	s23 =	simm.s32 $0x1B8B  }
0xa2: {  	_ =	swait.ge [sflag:s23], $0x1  }
0xa3: {  	[sflag:s23] =	ssyncset.done $0x0  }
0xa4: {  	s25 =	simm.s32 $0x1B8E;
	s24 =	sld [smem:$0x3FFE];
	[sflag:s23] =	ssyncadd.s32 $0xFFFFFFFF  }
0xa5: {  	s26 =	simm.s32 $execute0_lowered;
	[smem:$0x3FD2] =	sst s25  }
0xa6: {  	s5 =	sshll.u32 s26, $0x1;
	_ =	strace $0x8000004C;
	[dreg:$0x1] =	wrdreg $0xFFFFFFFF  }
0xa7: {  	s28 =	simm.s32 $_size_execute0_lowered;
	s3 =	sadd.s32 s3, s5;
	[dreg:$0x0] =	wrdreg $0x0  }
0xa8: {  	s5 =	sshll.u32 s28, $0x1;
	[dreg:$0x2] =	wrdreg s3  }
0xa9: {  	[dreg:$0x3] =	wrdreg s5  }
0xaa: {  	[dreg:$0x4] =	wrdreg $0xC0  }
0xab: {  	_ =	task [dreg:s7], $0x5FFFF  }
0xac: {  	[dreg:$0x1] =	wrdreg $0xFFFFFFFF  }
0xad: {  	[dreg:$0x0] =	wrdreg $0x60  }
0xae: {  	[dreg:$0x2] =	wrdreg s2  }
0xaf: {  	[dreg:$0x3] =	wrdreg s24  }
0xb0: {  	[dreg:$0x4] =	wrdreg $0xA9000  }
0xb1: {  	[dreg:$0x5] =	wrdreg $0x9  }
0xb2: {  	_ =	task.clear_ibuf [dreg:s7], $0x6FFFF;
	_ =	strace $0x9000004C  }
0xb3: {  	s29 =	simm.s32 $0x9;
	_ =	strace $0x8000004E  }
0xb4: {  	_ =	swait.ge [sflag:s29], $0x1  }
0xb5: {  	[sflag:s29] =	ssyncadd.s32 $0xFFFFFFFF  }
0xb6: {  	_ =	strace $0x9000004E  }
0xb7: {  	_ =	sfence  }
0xb8: {  	s30 =	sld [smem:$0x0];
	_ =	sdelay $0x2  }
0xb9: {  	s31 =	sshll.u32 s1, $0xD;
	s1 =	sshrl.u32 s1, $0x2  }
0xba: {  	s3 =	sand.u32 $0x4000, s31;
	s1 =	sadd.s32 s1, s30  }
0xbb: {  	s0 =	sor.u32 s3, s0;
	s1 =	sshll.u32 s1, $0x11  }
0xbc: {  	s0 =	sor.u32 s1, s0  }
0xbd: {  	s0 =	sadd.s32 $0x8F2B, s0  }
0xbe: {  	[sflag:s0] =	ssyncadd.remote.s32 $0x1  }
0xbf: {  	_ =	sfence.sel $0xFFFF  }
0xc0: {  	[dreg:$0x0] =	wrdreg $0xFFFFFFFF;
	(pc) =	sbr.abs _section_cstart, $3  }
0xc1: {  	[dreg:$0x1] =	wrdreg $0xFFFFFFFF  }
0xc2: {  	_ =	task.clear_ibuf [dreg:s7], $0x2FFFF;
	_ =	strace $0x9FFFFFFF  }
0xc3: {  	(tm) =	ssettm $0x7FFFFFFF  }
tec
execute0_lowered:
.L_overlay_start_1:
0x0: {  	(tag) =	ssettag $0x1  }
0x1: {  	s1 =	rddreg [dreg:$0x0]  }
0x2: {  	s5 =	rddreg [dreg:$0x1]  }
0x3: {  	s2 =	rddreg [dreg:$0x2]  }
0x4: {  	s3 =	simm.s32 $0x0;
	s4 =	srdreg.scid;
	s13 =	stileid.u32  }
0x5: {  	s18 =	simm.s32 $0x3;
	s19 =	simm.s32 $0x80;
	s20 =	simm.s32 $0x2900  }
0x6: {  	s21 =	simm.s32 $0x2880;
	s22 =	simm.s32 $0x6900;
	s23 =	simm.s32 $0x1  }
0x7: {  	s28 =	simm.s32 $0x0;
	[smem:$0x7FF] =	sst s3;
	s7 =	sand.u32 $0x1, s4  }
0x8: {  	s24 =	sshll.u32 s13, $0x1;
	s12 =	sadd.s32 $0x2C00, s5;
	s10 =	smul.u32 $0x4E000, s13  }
0x9: {  	s4 =	sadd.s32 $0x20C00, s5;
	s9 =	sadd.s32 $0x23400, s5;
	s25 =	smul.u32 $0x13800, s13  }
0xa: {  	s15 =	smul.u32 $0x5000, s13;
	s17 =	sadd.s32 $0x138000, s2;
	p0 =	sne.s32 s13, $0x0  }
0xb: {  	s31 =	sshll.u32 s13, $0x6;
	s13 =	simm.s32 $0x4;
	_ =	strace $0x8000004D  }
0xc: {  	s6 =	sor.u32 s7, s24;
	s8 =	ssub.s32 $0x2, s7;
	s14 =	smul.u32 $0x138800, s7  }
0xd: {  	s26 =	smul.u32 $0x2800, s7;
	s24 =	simm.s32 $0x2;
	s11 =	sshrl.u32 s8, $0x1  }
0xe: {  	s6 =	smul.u32 $0x2800, s6;
	s10 =	sshrl.u32 s10, $0x2;
	s11 =	ssub.s32 s8, s11  }
0xf: {  	s16 =	sadd.s32 s10, s2;
	s8 =	sadd.s32 s25, s14;
	s14 =	sshrl.u32 s14, $0x3  }
0x10: {  	s10 =	sadd.s32 s26, s15;
	s6 =	sshrl.u32 s6, $0x3;
	s8 =	sshrl.u32 s8, $0x3  }
0x11: {  	s29 =	sor.u32 $0x100, s10;
	s15 =	sor.u32 $0x80, s10;
	s10 =	smax.u32 s11, $0x1  }
0x12: {  	s5 =	sadd.s32 s5, s6;
	s6 =	sadd.s32 s12, s6;
	s8 =	sadd.s32 s9, s8  }
0x13: {  	s9 =	sadd.s32 s9, s14;
	s14 =	sshrl.u32 s29, $0x3;
	s30 =	sshrl.u32 s15, $0x3  }
0x14: {  	s15 =	sshrl.u32 s16, $0x3;
	s16 =	sshrl.u32 @!p0 s17, $0x3;
	s17 =	simm.s32 $0x2800  }
0x15: {  	s5 =	sadd.s32 $0x16C00, s5;
	s7 =	sadd.s32 $0x4F0, s6;
	s9 =	sadd.s32 $0x27000, s9  }
0x16: {  	s11 =	sadd.s32 s14, s12;
	s12 =	sadd.s32 s30, s12;
	s14 =	sor.u32 $0x1C04, s31  }
.LBB2_1:
0x17: {  	[tilespmem:s3], [sflag:$0x4] =	stream.linear.gather [hbm4b:s5+s3], $0x2800, $0x38;
	[tilespmem:$0x1E200] =	vst v63  }
0x18: {  	_ =	swait.ge [sflag:s13], $0x2800  }
0x19: {  	[sflag:s13] =	ssyncset.done $0x0  }
0x1a: {  	[sflag:s13] =	ssyncadd.s32 $0xFFFFD800  }
0x1b: {  	[spmem:s15], [sflag:s14] =	dma.local [hbm:s4], $0x2700  }
0x1c: {  	_ =	swait.ge [sflag:s13], $0x2700  }
0x1d: {  	[sflag:s13] =	ssyncset.done $0x0  }
0x1e: {  	s29 =	simm.s32 @!p0 $0x4;
	[sflag:s13] =	ssyncadd.s32 $0xFFFFD900  }
0x1f: {  	[spmem:s16], [sflag:s14] =	dma.local @!p0 [hbm:s4], $0x100  }
0x20: {  	_ =	swait.ge @!p0 [sflag:s29], $0x100  }
0x21: {  	[sflag:s29] =	ssyncset.done @!p0 $0x0  }
0x22: {  	[sflag:s29] =	ssyncadd.s32 @!p0 $0xFFFFFF00  }
0x23: {  	[bflag:$0x0] =	sbarrier.arrive $0xFFFF  }
0x24: {  	[tilespmem:s17], [sflag:$0x3] =	stream.linear.gather [hbm4b:s6+s3], $0x80, $0x38;
	[tilespmem:$0x1E200] =	vst v63  }
0x25: {  	_ =	swait.ge [sflag:s18], $0x80  }
0x26: {  	[sflag:s18] =	ssyncset.done $0x0  }
0x27: {  	[sflag:s18] =	ssyncadd.s32 $0xFFFFFF80  }
0x28: {  	[tilespmem:s20], [sflag:$0x1] =	stream.indirect.gather [hbm4b:s1+s19], $0x80, s17, s19, $0xb8;
	[tilespmem:$0x1E200] =	vst v63  }
0x29: {  	s29 =	sadd.s32 $0x0, s12  }
0x2a: {  	[tilespmem:s21], [sflag:$0x3] =	stream.linear.gather [hbm4b:s29+s3], $0x80, $0x38;
	[tilespmem:$0x1E200] =	vst v63  }
0x2b: {  	_ =	swait.ge [sflag:s18], $0x80  }
0x2c: {  	[sflag:s18] =	ssyncset.done $0x0  }
0x2d: {  	[sflag:s18] =	ssyncadd.s32 $0xFFFFFF80  }
0x2e: {  	[tilespmem:s22], [sflag:$0x2] =	stream.indirect.gather [hbm4b:s1+s19], $0x80, s21, s19, $0xb8;
	[tilespmem:$0x1E200] =	vst v63  }
0x2f: {  	_ =	swait.ge [sflag:s23], $0x4000  }
0x30: {  	[sflag:s23] =	ssyncset.done $0x0  }
0x31: {  	[sflag:s23] =	ssyncadd.s32 $0xFFFFC000  }
0x32: {  	[spmem:s2] =	stream.indirect.scatter.add.f32 [tilespmem:s20], [sflag:$0x4], $0x80, s3, s19, $0xb8;
	[tilespmem:$0x1E200] =	vst v63  }
0x33: {  	_ =	swait.ge [sflag:s13], $0x4000  }
0x34: {  	[sflag:s13] =	ssyncset.done $0x0  }
0x35: {  	s29 =	sadd.s32 $0x0, s11;
	[sflag:s13] =	ssyncadd.s32 $0xFFFFC000  }
0x36: {  	[tilespmem:s17], [sflag:$0x3] =	stream.linear.gather [hbm4b:s29+s3], $0x80, $0x38;
	[tilespmem:$0x1E200] =	vst v63  }
0x37: {  	_ =	swait.ge [sflag:s18], $0x80  }
0x38: {  	[sflag:s18] =	ssyncset.done $0x0  }
0x39: {  	[sflag:s18] =	ssyncadd.s32 $0xFFFFFF80  }
0x3a: {  	[tilespmem:s20], [sflag:$0x1] =	stream.indirect.gather [hbm4b:s1+s19], $0x80, s17, s19, $0xb8;
	[tilespmem:$0x1E200] =	vst v63  }
0x3b: {  	_ =	swait.ge [sflag:s24], $0x4000  }
0x3c: {  	[sflag:s24] =	ssyncset.done $0x0  }
0x3d: {  	s29 =	simm.s32 $0x80;
	[sflag:s24] =	ssyncadd.s32 $0xFFFFC000  }
0x3e: {  	[spmem:s2] =	stream.indirect.scatter.add.f32 [tilespmem:s22], [sflag:$0x4], $0x80, s29, s19, $0xb8;
	[tilespmem:$0x1E200] =	vst v63  }
0x3f: {  	s30 =	simm.s32 $0x20;
	_ =	swait.ge [sflag:s13], $0x4000  }
0x40: {  	s31 =	simm.s32 $0x40;
	s29 =	simm.s32 $0x100;
	[sflag:s13] =	ssyncset.done $0x0  }
.LBB2_2:
0x41: {  	s0 =	sadd.s32 s30, s12  }
0x42: {  	[sflag:s13] =	ssyncadd.s32 $0xFFFFC000;
	s25 =	smov.u32 s31;
	s26 =	sadd.s32 $0x20, s31  }
0x43: {  	[tilespmem:s21], [sflag:$0x3] =	stream.linear.gather [hbm4b:s0+s3], $0x80, $0x38;
	[tilespmem:$0x1E200] =	vst v63  }
0x44: {  	p1 =	sne.s32 s31, $0x4C0;
	_ =	swait.ge [sflag:s18], $0x80  }
0x45: {  	[sflag:s18] =	ssyncset.done $0x0  }
0x46: {  	[sflag:s18] =	ssyncadd.s32 $0xFFFFFF80  }
0x47: {  	[tilespmem:s22], [sflag:$0x2] =	stream.indirect.gather [hbm4b:s1+s19], $0x80, s21, s19, $0xb8;
	[tilespmem:$0x1E200] =	vst v63  }
0x48: {  	_ =	swait.ge [sflag:s23], $0x4000  }
0x49: {  	[sflag:s23] =	ssyncset.done $0x0  }
0x4a: {  	[sflag:s23] =	ssyncadd.s32 $0xFFFFC000  }
0x4b: {  	[spmem:s2] =	stream.indirect.scatter.add.f32 [tilespmem:s20], [sflag:$0x4], $0x80, s29, s19, $0xb8;
	[tilespmem:$0x1E200] =	vst v63  }
0x4c: {  	_ =	swait.ge [sflag:s13], $0x4000  }
0x4d: {  	[sflag:s13] =	ssyncset.done $0x0  }
0x4e: {  	s0 =	sadd.s32 s30, s11;
	s30 =	smov.u32 s25;
	[sflag:s13] =	ssyncadd.s32 $0xFFFFC000  }
0x4f: {  	[tilespmem:s17], [sflag:$0x3] =	stream.linear.gather [hbm4b:s0+s3], $0x80, $0x38;
	[tilespmem:$0x1E200] =	vst v63  }
0x50: {  	_ =	swait.ge [sflag:s18], $0x80  }
0x51: {  	[sflag:s18] =	ssyncset.done $0x0  }
0x52: {  	[sflag:s18] =	ssyncadd.s32 $0xFFFFFF80  }
0x53: {  	[tilespmem:s20], [sflag:$0x1] =	stream.indirect.gather [hbm4b:s1+s19], $0x80, s17, s19, $0xb8;
	[tilespmem:$0x1E200] =	vst v63  }
0x54: {  	_ =	swait.ge [sflag:s24], $0x4000  }
.Ltmp0:
0x55: {  	[sflag:s24] =	ssyncset.done $0x0;
	(pc) =	sbr.rel @p1 .LBB2_2-.Ltmp0, $4  }
0x56: {  	s0 =	sadd.s32 $0x80, s29;
	[sflag:s24] =	ssyncadd.s32 $0xFFFFC000  }
0x57: {  	[spmem:s2] =	stream.indirect.scatter.add.f32 [tilespmem:s22], [sflag:$0x4], $0x80, s0, s19, $0xb8;
	[tilespmem:$0x1E200] =	vst v63  }
0x58: {  	_ =	swait.ge [sflag:s13], $0x4000  }
0x59: {  	s31 =	smov.u32 s26;
	s29 =	sadd.s32 $0x100, s29;
	[sflag:s13] =	ssyncset.done $0x0  }
0x5a: {  	s0 =	sadd.s32 s30, s12;
	[sflag:s13] =	ssyncadd.s32 $0xFFFFC000  }
0x5b: {  	[tilespmem:s21], [sflag:$0x3] =	stream.linear.gather [hbm4b:s0+s3], $0x80, $0x38;
	[tilespmem:$0x1E200] =	vst v63  }
0x5c: {  	_ =	swait.ge [sflag:s18], $0x80  }
0x5d: {  	[sflag:s18] =	ssyncset.done $0x0  }
0x5e: {  	[sflag:s18] =	ssyncadd.s32 $0xFFFFFF80  }
0x5f: {  	[tilespmem:s22], [sflag:$0x2] =	stream.indirect.gather [hbm4b:s1+s19], $0x80, s21, s19, $0xb8;
	[tilespmem:$0x1E200] =	vst v63  }
0x60: {  	_ =	swait.ge [sflag:s23], $0x4000  }
0x61: {  	[sflag:s23] =	ssyncset.done $0x0  }
0x62: {  	[sflag:s23] =	ssyncadd.s32 $0xFFFFC000  }
0x63: {  	[spmem:s2] =	stream.indirect.scatter.add.f32 [tilespmem:s20], [sflag:$0x4], $0x80, s29, s19, $0xb8;
	[tilespmem:$0x1E200] =	vst v63  }
0x64: {  	_ =	swait.ge [sflag:s13], $0x4000  }
0x65: {  	[sflag:s13] =	ssyncset.done $0x0  }
0x66: {  	s26 =	sadd.s32 s30, s11;
	[sflag:s13] =	ssyncadd.s32 $0xFFFFC000  }
0x67: {  	[tilespmem:s17], [sflag:$0x3] =	stream.linear.gather [hbm4b:s26+s3], $0x80, $0x38;
	[tilespmem:$0x1E200] =	vst v63  }
0x68: {  	_ =	swait.ge [sflag:s18], $0x80  }
0x69: {  	[sflag:s18] =	ssyncset.done $0x0  }
0x6a: {  	[sflag:s18] =	ssyncadd.s32 $0xFFFFFF80  }
0x6b: {  	[tilespmem:s20], [sflag:$0x1] =	stream.indirect.gather [hbm4b:s1+s19], $0x80, s17, s19, $0xb8;
	[tilespmem:$0x1E200] =	vst v63  }
0x6c: {  	_ =	swait.ge [sflag:s24], $0x4000  }
0x6d: {  	[sflag:s24] =	ssyncset.done $0x0  }
0x6e: {  	s29 =	sadd.s32 $0x80, s29;
	[sflag:s24] =	ssyncadd.s32 $0xFFFFC000  }
0x6f: {  	[spmem:s2] =	stream.indirect.scatter.add.f32 [tilespmem:s22], [sflag:$0x4], $0x80, s29, s19, $0xb8;
	[tilespmem:$0x1E200] =	vst v63  }
0x70: {  	_ =	swait.ge [sflag:s13], $0x4000  }
0x71: {  	[sflag:s13] =	ssyncset.done $0x0  }
0x72: {  	[sflag:s13] =	ssyncadd.s32 $0xFFFFC000  }
0x73: {  	_ =	swait.ge [sflag:s23], $0x4000  }
0x74: {  	[sflag:s23] =	ssyncset.done $0x0  }
0x75: {  	s30 =	simm.s32 $0x2700;
	[sflag:s23] =	ssyncadd.s32 $0xFFFFC000  }
0x76: {  	[spmem:s2] =	stream.indirect.scatter.add.f32 [tilespmem:s20], [sflag:$0x4], $0x80, s30, s19, $0xb8;
	[tilespmem:$0x1E200] =	vst v63  }
0x77: {  	_ =	swait.ge [sflag:s13], $0x4000  }
0x78: {  	[sflag:s13] =	ssyncset.done $0x0  }
0x79: {  	[sflag:s13] =	ssyncadd.s32 $0xFFFFC000  }
0x7a: {  	[tilespmem:s21], [sflag:$0x3] =	stream.linear.gather [hbm4b:s7+s3], $0x80, $0x38;
	[tilespmem:$0x1E200] =	vst v63  }
0x7b: {  	_ =	swait.ge [sflag:s18], $0x80  }
0x7c: {  	[sflag:s18] =	ssyncset.done $0x0  }
0x7d: {  	[sflag:s18] =	ssyncadd.s32 $0xFFFFFF80  }
0x7e: {  	[tilespmem:s22], [sflag:$0x2] =	stream.indirect.gather [hbm4b:s1+s19], $0x80, s21, s19, $0xb8;
	[tilespmem:$0x1E200] =	vst v63  }
0x7f: {  	_ =	swait.ge [sflag:s24], $0x4000  }
0x80: {  	[sflag:s24] =	ssyncset.done $0x0  }
0x81: {  	s31 =	simm.s32 $0x2780;
	[sflag:s24] =	ssyncadd.s32 $0xFFFFC000  }
0x82: {  	[spmem:s2] =	stream.indirect.scatter.add.f32 [tilespmem:s22], [sflag:$0x4], $0x80, s31, s19, $0xb8;
	[tilespmem:$0x1E200] =	vst v63  }
0x83: {  	_ =	swait.ge [sflag:s13], $0x4000  }
0x84: {  	[sflag:s13] =	ssyncset.done $0x0  }
0x85: {  	[sflag:s13] =	ssyncadd.s32 $0xFFFFC000  }
0x86: {  	[bflag:$0x0] =	sbarrier.arrive $0xFFFF  }
0x87: {  	[hbm:s8], [sflag:s14] =	dma.local [spmem:s15], $0x2700  }
0x88: {  	s28 =	sadd.s32 $0x1, s28;
	_ =	swait.ge [sflag:s13], $0x2700  }
0x89: {  	p1 =	sne.s32 s28, s10;
	[sflag:s13] =	ssyncset.done $0x0  }
.Ltmp1:
0x8a: {  	s0 =	simm.s32 @!p0 $0x4;
	[sflag:s13] =	ssyncadd.s32 $0xFFFFD900;
	(pc) =	sbr.rel @p1 .LBB2_1-.Ltmp1, $4  }
0x8b: {  	[hbm:s9], [sflag:s14] =	dma.local @!p0 [spmem:s16], $0x100  }
0x8c: {  	_ =	swait.ge @!p0 [sflag:s0], $0x100  }
0x8d: {  	[sflag:s0] =	ssyncset.done @!p0 $0x0  }
0x8e: {  	[sflag:s0] =	ssyncadd.s32 @!p0 $0xFFFFFF00  }
0x8f: {  	_ =	sfence.sel $0x180000  }
0x90: {  	[bflag:$0x0] =	sbarrier.arrive $0xFFFF  }
0x91: {  	_ =	strace $0x9000004D  }
0x92: {  	[bflag:$0x2] =	sbarrier.arrive $0xFFFF  }
0x93: {  	s0 =	rddreg [dreg:$0x3]  }
0x94: {  	s0 =	sadd.s32 @!p0 $0x100000, s0  }
0x95: {  	[sflag:s0] =	ssyncadd.tile.s32 @!p0 $0x1;
	_ =	shalt  }
.Lfunc_end2:
_tile_overlayer_lowered:
.L_overlay_start_2:
0x96: {  	(tag) =	ssettag $0x2  }
0x97: {  	s0 =	rddreg [dreg:$0x0];
	s2 =	stileid.u32  }
0x98: {  	s1 =	rddreg [dreg:$0x1];
	p0 =	sne.s32 s2, $0x0  }
0x99: {  	s3 =	rddreg [dreg:$0x2];
	[bflag:$0x3] =	sbarrier.arrive $0xFFFF;
	s2 =	simm.s32 @!p0 $0x1C04  }
0x9a: {  	[timem:s3], [sflag:s2] =	dma.local @!p0 [hbm:s0], s1  }
0x9b: {  	s0 =	simm.s32 @!p0 $0x4  }
0x9c: {  	_ =	swait.ge @!p0 [sflag:s0], s1  }
0x9d: {  	s1 =	ssub.s32 @!p0 $0x0, s1;
	[sflag:s0] =	ssyncset.done @!p0 $0x0  }
0x9e: {  	[sflag:s0] =	ssyncadd.s32 @!p0 s1  }
0x9f: {  	[bflag:$0x3] =	sbarrier.arrive $0xFFFF  }
0xa0: {  	_ =	shalt  }

// kernel: sc_sage_counts.3.cloned.1.call-start
scs
__scs_entry_jumppad:
0x0: {  	(pc) =	sbr.rel $0x88, $3  }
0x1: {  	(tag) =	ssettag $0x0;
	lr =	simm.s32 $0x1  }
0x2: {  	[smem:$0x3F99] =	sst lr;
	_ =	strace $0xD0000000  }
0x3: {  	_ = 	snop  }
0x4: {  	_ = 	snop  }
0x5: {  	_ = 	snop  }
0x6: {  	_ = 	snop  }
0x7: {  	_ = 	snop  }
__scs_overlays_trampoline_lowered:
0x8: {  	[smem:$0x3FA8] =	sst s0  }
0x9: {  	[smem:$0x3FA9] =	sst s1  }
0xa: {  	[smem:$0x3FAA] =	sst s2  }
0xb: {  	[smem:$0x3FAB] =	sst s3  }
0xc: {  	[smem:$0x3FAC] =	sst s4  }
0xd: {  	[smem:$0x3FAD] =	sst s5  }
0xe: {  	[smem:$0x3FAE] =	sst s6  }
0xf: {  	[smem:$0x3FAF] =	sst s7  }
0x10: {  	[smem:$0x3FB0] =	sst s8  }
0x11: {  	[smem:$0x3FB1] =	sst s9;
	s0 =	simm.s32 @!p0 $0x0  }
0x12: {  	s1 =	sld [smem:$0x3F97];
	s0 =	simm.s32 @p0 $0x1  }
0x13: {  	[smem:$0x3FB2] =	sst s0;
	s0 =	simm.s32 @!p1 $0x0  }
0x14: {  	s2 =	sld [smem:$0x3F96];
	s0 =	simm.s32 @p1 $0x1  }
0x15: {  	[smem:$0x3FB3] =	sst s0;
	s0 =	simm.s32 @!p2 $0x0  }
0x16: {  	s3 =	sld [smem:$0x3FDB];
	s0 =	simm.s32 @p2 $0x1  }
0x17: {  	s4 =	simm.s32 $0x1BF5;
	[smem:$0x3FB5] =	sst s0  }
0x18: {  	s0 =	sld [smem:$0x3F98];
	_ =	swait.ge [sflag:s4], $0x0  }
0x19: {  	s7 =	sld [smem:$0x3F99]  }
0x1a: {  	s8 =	sadd.s32 $0xFFFFE003, lr  }
0x1b: {  	s9 =	sadd.s32 $0xFFFFFEF7, lr;
	s5 =	simm.s32 $0xFFFFFFFF;
	p2 =	slt.u32 s8, $0xFFFFF086  }
0x1c: {  	p1 =	slt.u32 s9, $0xF7A;
	s5 =	simm.s32 @!p2 $0x0  }
0x1d: {  	s5 =	simm.s32 @p1 $0x1;
	p0 =	seq.s32 s7, s2  }
0x1e: {  	s7 =	smul.u32 @!p0 $0xF7A, s2;
	p2 =	seq.s32 @!p0 s5, $0x0  }
0x1f: {  	s9 =	smul.u32 $0xF7A, s1;
	s8 =	simm.s32 @!p0 $0x1BF5;
	p2 =	por !p2, p0  }
0x20: {  	[sflag:s8] =	ssyncset.s32 @!p0 $0xFFFFF086;
	s6 =	sadd.s32 @!p0 s3, s7;
	s7 =	simm.s32 @!p0 $0x108  }
0x21: {  	s3 =	sadd.s32 s3, s9;
	s6 =	sadd.s32 @!p0 $0x88, s6;
	s7 =	simm.s32 @p2 $0x1082  }
0x22: {  	[simem:s7], [sflag:s8] =	dma.local @!p0 [hbm:s6], $0xF7A  }
0x23: {  	s9 =	sor.u32 $0xD0000000, s2;
	s6 =	simm.s32 $0x108;
	_ =	swait.ge @!p0 [sflag:s8], $0x0  }
0x24: {  	s3 =	sadd.s32 $0x88, s3;
	s6 =	simm.s32 @!p1 $0x1082;
	[sflag:s4] =	ssyncset.s32 $0xFFFFF086  }
0x25: {  	[simem:s6], [sflag:s4] =	dma.local [hbm:s3], $0xF7A  }
0x26: {  	[smem:$0x3F99] =	sst s1;
	(tag) =	ssettag s2;
	_ =	strace s9  }
0x27: {  	s1 =	sld [smem:$0x3FA9]  }
0x28: {  	s2 =	sld [smem:$0x3FAA]  }
0x29: {  	s4 =	sld [smem:$0x3FAC]  }
0x2a: {  	p0 =	seq.s32 s5, $0x0;
	s5 =	sld [smem:$0x3FAD]  }
0x2b: {  	s6 =	sld [smem:$0x3FAE]  }
0x2c: {  	s7 =	sld [smem:$0x3FAF]  }
0x2d: {  	s3 =	simm.s32 $0x108;
	s8 =	sld [smem:$0x3FB0]  }
0x2e: {  	s3 =	simm.s32 @!p0 $0x1082;
	s9 =	sld [smem:$0x3FB1]  }
0x2f: {  	lr =	sadd.s32 s0, s3;
	s0 =	sld [smem:$0x3FA8]  }
0x30: {  	s3 =	sld [smem:$0x3FAB]  }
0x31: {  	[smem:$0x3FB4] =	sst s10  }
0x32: {  	s10 =	sld [smem:$0x3FB2];
	_ =	sdelay $0x3  }
0x33: {  	p0 =	seq.s32 s10, $0x1;
	s10 =	sld [smem:$0x3FB4];
	_ =	sdelay $0x3  }
0x34: {  	[smem:$0x3FB4] =	sst s10  }
0x35: {  	s10 =	sld [smem:$0x3FB3];
	_ =	sdelay $0x3  }
0x36: {  	p1 =	seq.s32 s10, $0x1;
	s10 =	sld [smem:$0x3FB4];
	_ =	sdelay $0x3  }
0x37: {  	[smem:$0x3FB4] =	sst s10  }
0x38: {  	s10 =	sld [smem:$0x3FB5]  }
0x39: {  	_ = 	snop;
	(pc) =	sbr.ind lr, $3  }
0x3a: {  	_ = 	snop  }
0x3b: {  	_ = 	snop  }
0x3c: {  	p2 =	seq.s32 s10, $0x1;
	s10 =	sld [smem:$0x3FB4]  }
0x3d: {  	_ =	shalt  }
0x3e: {  	_ =	shalt  }
0x3f: {  	_ =	shalt  }
0x40: {  	_ =	shalt  }
0x41: {  	_ =	shalt  }
0x42: {  	_ =	shalt  }
0x43: {  	_ =	shalt  }
0x44: {  	_ =	shalt  }
0x45: {  	_ =	shalt  }
0x46: {  	_ =	shalt  }
0x47: {  	_ =	shalt  }
0x48: {  	_ =	shalt  }
0x49: {  	_ =	shalt  }
0x4a: {  	_ =	shalt  }
0x4b: {  	_ =	shalt  }
0x4c: {  	_ =	shalt  }
0x4d: {  	_ =	shalt  }
0x4e: {  	_ =	shalt  }
0x4f: {  	_ =	shalt  }
0x50: {  	_ =	shalt  }
0x51: {  	_ =	shalt  }
0x52: {  	_ =	shalt  }
0x53: {  	_ =	shalt  }
0x54: {  	_ =	shalt  }
0x55: {  	_ =	shalt  }
0x56: {  	_ =	shalt  }
0x57: {  	_ =	shalt  }
0x58: {  	_ =	shalt  }
0x59: {  	_ =	shalt  }
0x5a: {  	_ =	shalt  }
0x5b: {  	_ =	shalt  }
0x5c: {  	_ =	shalt  }
0x5d: {  	_ =	shalt  }
0x5e: {  	_ =	shalt  }
0x5f: {  	_ =	shalt  }
0x60: {  	_ =	shalt  }
0x61: {  	_ =	shalt  }
0x62: {  	_ =	shalt  }
0x63: {  	_ =	shalt  }
0x64: {  	_ =	shalt  }
0x65: {  	_ =	shalt  }
0x66: {  	_ =	shalt  }
0x67: {  	_ =	shalt  }
0x68: {  	_ =	shalt  }
0x69: {  	_ =	shalt  }
0x6a: {  	_ =	shalt  }
0x6b: {  	_ =	shalt  }
0x6c: {  	_ =	shalt  }
0x6d: {  	_ =	shalt  }
0x6e: {  	_ =	shalt  }
0x6f: {  	_ =	shalt  }
0x70: {  	_ =	shalt  }
0x71: {  	_ =	shalt  }
0x72: {  	_ =	shalt  }
0x73: {  	_ =	shalt  }
0x74: {  	_ =	shalt  }
0x75: {  	_ =	shalt  }
0x76: {  	_ =	shalt  }
0x77: {  	_ =	shalt  }
0x78: {  	_ =	shalt  }
0x79: {  	_ =	shalt  }
0x7a: {  	_ =	shalt  }
0x7b: {  	_ =	shalt  }
0x7c: {  	_ =	shalt  }
0x7d: {  	_ =	shalt  }
0x7e: {  	_ =	shalt  }
0x7f: {  	_ =	shalt  }
0x80: {  	_ =	shalt  }
0x81: {  	_ =	shalt  }
0x82: {  	_ =	shalt  }
0x83: {  	_ =	shalt  }
0x84: {  	_ =	shalt  }
0x85: {  	_ =	shalt  }
0x86: {  	_ =	shalt  }
0x87: {  	_ =	shalt  }
.Lfunc_end0:
.L_simem_size_0:
called_computation_lowered:
.L_overlay_start_0:
0x88: {  	s2 =	sld [smem:$0x3FD9]  }
0x89: {  	s3 =	sld [smem:$0x3FFE];
	_ =	sdelay $0x1  }
0x8a: {  	s1 =	srdreg.scid  }
0x8b: {  	s0 =	sand.u32 $0x1, s1  }
0x8c: {  	s17 =	sshll.u32 s0, $0xA;
	s2 =	sadd.s32 s3, s2  }
0x8d: {  	s2 =	sadd.s32 s2, s17  }
0x8e: {  	[smem:$0x3FC0] =	sst s2  }
0x8f: {  	_ = 	snop  }
0x90: {  	(tm) =	ssettm $0x1  }
0x91: {  	s18 =	sld [smem:$0x3FFB];
	_ =	sdelay $0x3  }
0x92: {  	_ =	strace s18  }
0x93: {  	s2 =	sld [smem:$0x3FFC];
	_ =	sdelay $0x3  }
0x94: {  	_ =	strace s2  }
0x95: {  	s2 =	sld [smem:$0x3FFD];
	_ =	sdelay $0x3  }
0x96: {  	_ =	strace s2  }
0x97: {  	_ =	strace $0x8FFFFFFF  }
0x98: {  	s19 =	sld [smem:$0x3FDB];
	_ =	sdelay $0x1  }
0x99: {  	s20 =	simm.s32 $_scs_section_size  }
0x9a: {  	s4 =	simm.s32 $_size__tile_overlayer_lowered;
	s5 =	simm.s32 $_tile_overlayer_lowered  }
0x9b: {  	s6 =	simm.s32 $0x1BFF;
	s21 =	sshll.u32 s5, $0x1;
	s3 =	sadd.s32 s20, s19  }
0x9c: {  	s22 =	simm.s32 $0x0;
	s4 =	sshll.u32 s4, $0x1;
	s5 =	sadd.s32 s21, s3  }
0x9d: {  	[timem:s22], [sflag:s6] =	dma.local [hbm:s5], s4  }
0x9e: {  	_ =	swait.ge [sflag:s6], s4  }
0x9f: {  	s4 =	ssub.s32 $0x0, s4;
	[sflag:s6] =	ssyncset.done $0x0  }
0xa0: {  	[sflag:s6] =	ssyncadd.s32 s4;
	_ =	sdelay $0x1  }
0xa1: {  	s23 =	simm.s32 $0x1B8B  }
0xa2: {  	_ =	swait.ge [sflag:s23], $0x1  }
0xa3: {  	[sflag:s23] =	ssyncset.done $0x0  }
0xa4: {  	[sflag:s23] =	ssyncadd.s32 $0xFFFFFFFF  }
0xa5: {  	s4 =	sld [smem:$0x0]  }
0xa6: {  	s5 =	sand.u32 $0xFFFFFFFE, s1  }
0xa7: {  	p0 =	sne.s32 s1, s5  }
0xa8: {  	s5 =	sshll.u32 @p0 s5, $0xE  }
0xa9: {  	s5 =	sadd.s32 @p0 $0x11B8D, s5;
	s6 =	sshll.u32 @p0 s4, $0x11  }
0xaa: {  	s5 =	sor.u32 @p0 s6, s5  }
0xab: {  	[sflag:s5] =	ssyncadd.remote.s32 @p0 $0x1;
	_ =	sdelay $0x1  }
0xac: {  	s5 =	simm.s32 @p0 $0x1B8D  }
0xad: {  	_ =	swait.eq @p0 [sflag:s5], $0x1  }
0xae: {  	[sflag:s5] =	ssyncadd.s32 @p0 $0xFFFFFFFF  }
0xaf: {  	s6 =	sshll.u32 @!p0 s1, $0xE  }
0xb0: {  	s6 =	sor.u32 @!p0 $0x4000, s6;
	s5 =	simm.s32 @!p0 $0x1B8D  }
0xb1: {  	s4 =	sshll.u32 @!p0 s4, $0x11;
	s6 =	sadd.s32 @!p0 $0x11B8D, s6;
	_ =	swait.eq @!p0 [sflag:s5], $0x1  }
0xb2: {  	s4 =	sor.u32 @!p0 s4, s6;
	[sflag:s5] =	ssyncadd.s32 @!p0 $0xFFFFFFFF  }
0xb3: {  	s25 =	simm.s32 $0x1B8E;
	s24 =	sld [smem:$0x3FFE];
	[sflag:s4] =	ssyncadd.remote.s32 @!p0 $0x1  }
0xb4: {  	s26 =	simm.s32 $execute0_lowered;
	[smem:$0x3FD2] =	sst s25  }
0xb5: {  	s5 =	sshll.u32 s26, $0x1;
	_ =	strace $0x80000049;
	[dreg:$0x1] =	wrdreg $0xFFFFFFFF  }
0xb6: {  	s28 =	simm.s32 $_size_execute0_lowered;
	s3 =	sadd.s32 s3, s5;
	[dreg:$0x0] =	wrdreg $0x0  }
0xb7: {  	s5 =	sshll.u32 s28, $0x1;
	[dreg:$0x2] =	wrdreg s3  }
0xb8: {  	[dreg:$0x3] =	wrdreg s5  }
0xb9: {  	[dreg:$0x4] =	wrdreg $0xC0  }
0xba: {  	_ =	task [dreg:s22], $0x5FFFF  }
0xbb: {  	[dreg:$0x1] =	wrdreg $0xFFFFFFFF  }
0xbc: {  	[dreg:$0x0] =	wrdreg $0x60  }
0xbd: {  	[dreg:$0x2] =	wrdreg s24  }
0xbe: {  	[dreg:$0x3] =	wrdreg $0x68000  }
0xbf: {  	[dreg:$0x4] =	wrdreg $0x9  }
0xc0: {  	_ =	task.clear_ibuf [dreg:s22], $0x5FFFF;
	_ =	strace $0x90000049  }
0xc1: {  	s29 =	simm.s32 $0x9;
	_ =	strace $0x8000004B  }
0xc2: {  	_ =	swait.ge [sflag:s29], $0x1  }
0xc3: {  	[sflag:s29] =	ssyncadd.s32 $0xFFFFFFFF  }
0xc4: {  	_ =	strace $0x9000004B  }
0xc5: {  	_ =	sfence  }
0xc6: {  	s30 =	sld [smem:$0x0];
	_ =	sdelay $0x2  }
0xc7: {  	s31 =	sshll.u32 s1, $0xD;
	s1 =	sshrl.u32 s1, $0x2  }
0xc8: {  	s4 =	sand.u32 $0x4000, s31;
	s1 =	sadd.s32 s1, s30  }
0xc9: {  	s0 =	sor.u32 s4, s0;
	s1 =	sshll.u32 s1, $0x11  }
0xca: {  	s0 =	sor.u32 s1, s0  }
0xcb: {  	s0 =	sadd.s32 $0x8F2B, s0  }
0xcc: {  	[sflag:s0] =	ssyncadd.remote.s32 $0x1  }
0xcd: {  	_ =	sfence.sel $0xFFFF  }
0xce: {  	[dreg:$0x0] =	wrdreg $0xFFFFFFFF;
	(pc) =	sbr.abs _section_cstart, $3  }
0xcf: {  	[dreg:$0x1] =	wrdreg $0xFFFFFFFF  }
0xd0: {  	_ =	task.clear_ibuf [dreg:s22], $0x2FFFF;
	_ =	strace $0x9FFFFFFF  }
0xd1: {  	(tm) =	ssettm $0x7FFFFFFF  }
tec
execute0_lowered:
.L_overlay_start_1:
0x0: {  	(tag) =	ssettag $0x1  }
0x1: {  	s5 =	rddreg [dreg:$0x0];
	s0 =	srdreg.scid  }
0x2: {  	s11 =	stileid.u32;
	s1 =	rddreg [dreg:$0x1];
	s2 =	simm.s32 $0x0  }
0x3: {  	s15 =	simm.s32 $0x1;
	s16 =	simm.s32 $0x0;
	s6 =	sand.u32 $0x1, s0  }
0x4: {  	s3 =	sshll.u32 s11, $0x1;
	s0 =	rddreg [dreg:$0x2];
	s8 =	smul.u32 $0x4E000, s11  }
0x5: {  	[smem:$0x7FF] =	sst s2;
	s4 =	sadd.s32 $0x71600, s5;
	s12 =	smul.u32 $0x13800, s11  }
0x6: {  	s13 =	sadd.s32 $0x71E00, s5;
	s14 =	sadd.s32 $0x138000, s1;
	p0 =	sne.s32 s11, $0x0  }
0x7: {  	s11 =	sshll.u32 s11, $0x6;
	s3 =	sor.u32 s6, s3;
	_ =	strace $0x8000004A  }
0x8: {  	s9 =	ssub.s32 $0x2, s6;
	s6 =	smul.u32 $0x138800, s6;
	s11 =	sor.u32 $0x1C02, s11  }
0x9: {  	s7 =	smul.u32 $0x2800, s3;
	s3 =	sadd.s32 $0x20C00, s5;
	s10 =	sshrl.u32 s9, $0x1  }
0xa: {  	s25 =	sshrl.u32 s8, $0x2;
	s9 =	ssub.s32 s9, s10;
	s26 =	sadd.s32 s12, s6  }
0xb: {  	s28 =	sadd.s32 s25, s1;
	s30 =	sshrl.u32 s6, $0x3;
	s10 =	simm.s32 $0x2800  }
0xc: {  	s7 =	sshrl.u32 s7, $0x3;
	s29 =	sshrl.u32 s26, $0x3;
	s31 =	sadd.s32 s13, s30  }
0xd: {  	s8 =	smax.u32 s9, $0x1;
	s9 =	simm.s32 $0x2;
	s12 =	sshrl.u32 s28, $0x3  }
0xe: {  	s5 =	sadd.s32 s5, s7;
	s6 =	sadd.s32 s13, s29;
	s7 =	sadd.s32 $0x27000, s31  }
0xf: {  	s13 =	sshrl.u32 @!p0 s14, $0x3;
	s14 =	simm.s32 $0x80;
	s5 =	sadd.s32 $0x16C00, s5  }
.LBB2_1:
0x10: {  	[tilespmem:s2], [sflag:$0x2] =	stream.linear.gather [hbm4b:s5+s2], $0x2800, $0x38;
	[tilespmem:$0x1A100] =	vst v63  }
0x11: {  	_ =	swait.ge [sflag:s9], $0x2800  }
0x12: {  	[sflag:s9] =	ssyncset.done $0x0  }
0x13: {  	[sflag:s9] =	ssyncadd.s32 $0xFFFFD800  }
0x14: {  	[tilespmem:s10], [sflag:$0x2] =	stream.linear.gather [hbm4b:s4+s2], $0x4000, $0x38;
	[tilespmem:$0x1A100] =	vst v63  }
0x15: {  	_ =	swait.ge [sflag:s9], $0x4000  }
0x16: {  	[sflag:s9] =	ssyncset.done $0x0  }
0x17: {  	[sflag:s9] =	ssyncadd.s32 $0xFFFFC000  }
0x18: {  	[spmem:s12], [sflag:s11] =	dma.local [hbm:s3], $0x2700  }
0x19: {  	_ =	swait.ge [sflag:s9], $0x2700  }
0x1a: {  	[sflag:s9] =	ssyncset.done $0x0  }
0x1b: {  	s17 =	simm.s32 @!p0 $0x2;
	[sflag:s9] =	ssyncadd.s32 $0xFFFFD900  }
0x1c: {  	[spmem:s13], [sflag:s11] =	dma.local @!p0 [hbm:s3], $0x100  }
0x1d: {  	_ =	swait.ge @!p0 [sflag:s17], $0x100  }
0x1e: {  	[sflag:s17] =	ssyncset.done @!p0 $0x0  }
0x1f: {  	[sflag:s17] =	ssyncadd.s32 @!p0 $0xFFFFFF00  }
0x20: {  	s17 =	simm.s32 $0x0;
	[bflag:$0x0] =	sbarrier.arrive $0xFFFF  }
.LBB2_2:
0x21: {  	p1 =	sne.s32 s17, $0x9E00  }
.Ltmp0:
0x22: {  	_ = 	snop;
	(pc) =	sbr.rel @p1 .LBB2_2-.Ltmp0, $3  }
0x23: {  	_ =	sdelay $0x1  }
0x24: {  	s18 =	sshra.s32 s17, $0x2;
	s17 =	sadd.s32 $0x200, s17  }
0x25: {  	[spmem:s1] =	stream.indirect.scatter.add.f32 [tilespmem:s10], [sflag:$0x1], $0x80, s18, s14, $0xb8;
	[tilespmem:$0x1A100] =	vst v63  }
0x26: {  	_ =	swait.ge [sflag:s15], $0x4000  }
0x27: {  	s17 =	simm.s32 $0x4F;
	[sflag:s15] =	ssyncset.done $0x0  }
.LBB2_4:
0x28: {  	p1 =	sne.s32 s17, $0x1;
	s17 =	sadd.s32 $0xFFFFFFFF, s17;
	[sflag:s15] =	ssyncadd.s32 $0xFFFFC000  }
.Ltmp1:
0x29: {  	(pc) =	sbr.rel @p1 .LBB2_4-.Ltmp1, $3  }
0x2a: {  	_ =	sdelay $0x1  }
0x2b: {  	_ =	swait.ge [sflag:s15], $0x4000  }
0x2c: {  	[sflag:s15] =	ssyncset.done $0x0  }
0x2d: {  	[sflag:s15] =	ssyncadd.s32 $0xFFFFC000  }
0x2e: {  	[bflag:$0x0] =	sbarrier.arrive $0xFFFF  }
0x2f: {  	[hbm:s6], [sflag:s11] =	dma.local [spmem:s12], $0x2700  }
0x30: {  	s16 =	sadd.s32 $0x1, s16;
	_ =	swait.ge [sflag:s9], $0x2700  }
0x31: {  	p1 =	sne.s32 s16, s8;
	[sflag:s9] =	ssyncset.done $0x0  }
.Ltmp2:
0x32: {  	s17 =	simm.s32 @!p0 $0x2;
	[sflag:s9] =	ssyncadd.s32 $0xFFFFD900;
	(pc) =	sbr.rel @p1 .LBB2_1-.Ltmp2, $4  }
0x33: {  	[hbm:s7], [sflag:s11] =	dma.local @!p0 [spmem:s13], $0x100  }
0x34: {  	_ =	swait.ge @!p0 [sflag:s17], $0x100  }
0x35: {  	[sflag:s17] =	ssyncset.done @!p0 $0x0  }
0x36: {  	[sflag:s17] =	ssyncadd.s32 @!p0 $0xFFFFFF00  }
0x37: {  	_ =	sfence.sel $0x180000  }
0x38: {  	[bflag:$0x0] =	sbarrier.arrive $0xFFFF  }
0x39: {  	_ =	strace $0x9000004A  }
0x3a: {  	s0 =	sadd.s32 @!p0 $0x100000, s0;
	[bflag:$0x2] =	sbarrier.arrive $0xFFFF  }
0x3b: {  	[sflag:s0] =	ssyncadd.tile.s32 @!p0 $0x1;
	_ =	shalt  }
.Lfunc_end2:
_tile_overlayer_lowered:
.L_overlay_start_2:
0x3c: {  	(tag) =	ssettag $0x2  }
0x3d: {  	s0 =	rddreg [dreg:$0x0];
	s2 =	stileid.u32  }
0x3e: {  	s1 =	rddreg [dreg:$0x1];
	p0 =	sne.s32 s2, $0x0  }
0x3f: {  	s3 =	rddreg [dreg:$0x2];
	[bflag:$0x3] =	sbarrier.arrive $0xFFFF;
	s2 =	simm.s32 @!p0 $0x1C02  }
0x40: {  	[timem:s3], [sflag:s2] =	dma.local @!p0 [hbm:s0], s1  }
0x41: {  	s0 =	simm.s32 @!p0 $0x2  }
0x42: {  	_ =	swait.ge @!p0 [sflag:s0], s1  }
0x43: {  	s1 =	ssub.s32 @!p0 $0x0, s1;
	[sflag:s0] =	ssyncset.done @!p0 $0x0  }
0x44: {  	[sflag:s0] =	ssyncadd.s32 @!p0 s1  }
0x45: {  	[bflag:$0x3] =	sbarrier.arrive $0xFFFF  }
0x46: {  	_ =	shalt  }

</sc_bundles>
